<compile_context>
chip_gen: v7x
topology: tpu7x:2x2x1
jax: 0.10.2.dev20260603
libtpu: 0.0.44.dev20260713+nightly
codegen_flags: <defaults>
</compile_context>

<pallas_src>
import functools

import jax
import jax.numpy as jnp
from jax import lax
from jax.experimental import pallas as pl
from jax.experimental.pallas import tpu as pltpu
from jax.experimental.pallas import tpu_sc as plsc

NC = 2
NS = 16
NW = NC * NS

N = 10000
NP = 10240
NPR = NP // 128
E = 320000
EPT = E // NW
CHUNK = 100
NITER = EPT // CHUNK
NPAIRS = NITER // 2
NRD = 10112
RPT = NRD // NS
ZR = RPT // 8
NB = 512
NGRID = (N + NB - 1) // NB


def _mesh():
    return plsc.VectorSubcoreMesh(
        core_axis_name="c", subcore_axis_name="s", num_cores=NC, num_subcores=NS
    )


def _sc_hist(adj):

    @functools.partial(
        pl.kernel,
        out_type=jax.ShapeDtypeStruct((NW, NP), jnp.float32),
        mesh=_mesh(),
        compiler_params=pltpu.CompilerParams(
            needs_layout_passes=False, use_tc_tiling_on_sc=False
        ),
        scratch_types=[
            pltpu.VMEM((EPT,), jnp.int32),
            pltpu.VMEM((NP,), jnp.float32),
        ],
    )
    def k(adj_hbm, out_hbm, col_v, hist_v):
        cid = lax.axis_index("c")
        sid = lax.axis_index("s")
        wid = cid * NS + sid

        def zbody(i, carry):
            hist_v[pl.ds(i * 16, 16)] = jnp.zeros((16,), jnp.float32)
            return carry

        lax.fori_loop(0, NP // 16, zbody, 0)
        pltpu.sync_copy(adj_hbm.at[1, pl.ds(wid * EPT, EPT)], col_v)
        ones = jnp.ones((16,), jnp.float32)

        def hbody(i, carry):
            idx = col_v[pl.ds(i * 16, 16)]
            plsc.addupdate_scatter(hist_v, [idx], ones)
            return carry

        lax.fori_loop(0, (EPT // 16), hbody, 0)
        pltpu.sync_copy(hist_v, out_hbm.at[wid])

    return k(adj)


def _sc_scatter(adj4d, g):

    @functools.partial(
        pl.kernel,
        out_type=jax.ShapeDtypeStruct((NC, NRD, 128), jnp.bfloat16),
        mesh=_mesh(),
        compiler_params=pltpu.CompilerParams(
            needs_layout_passes=False, use_tc_tiling_on_sc=False
        ),
        scratch_types=[
            pltpu.VMEM((NITER, CHUNK), jnp.int32),
            pltpu.VMEM((NITER, CHUNK), jnp.int32),
            pltpu.VMEM((CHUNK, 128), jnp.bfloat16),
            pltpu.VMEM((CHUNK, 128), jnp.bfloat16),
            pltpu.VMEM_SHARED((NRD, 128), jnp.bfloat16),
            pltpu.SemaphoreType.DMA,
            pltpu.SemaphoreType.DMA,
            pltpu.SemaphoreType.DMA,
            pltpu.SemaphoreType.DMA,
        ],
    )
    def k(adj_hbm, g_hbm, out_hbm, ridx, cidx, buf0, buf1, acc, s0, s1, t0, t1):
        cid = lax.axis_index("c")
        sid = lax.axis_index("s")
        wid = cid * NS + sid

        def zbody(i, carry):
            r = i // 4
            cc = (i % 4) * 32
            buf0[r, pl.ds(cc, 32)] = jnp.zeros((32,), jnp.bfloat16)
            return carry

        lax.fori_loop(0, CHUNK * 4, zbody, 0)
        for b in range(8):
            pltpu.sync_copy(
                buf0.at[pl.ds(0, ZR), :], acc.at[pl.ds(sid * RPT + b * ZR, ZR), :]
            )
        pltpu.sync_copy(adj_hbm.at[0, wid], ridx)
        pltpu.sync_copy(adj_hbm.at[1, wid], cidx)
        plsc.subcore_barrier()

        def rv(i):
            return ridx.at[i]

        def cv(i):
            return cidx.at[i]

        pltpu.async_copy(g_hbm.at[rv(0)], buf0, s0)
        pltpu.async_copy(g_hbm.at[rv(1)], buf1, s1)

        def body(j, carry):
            i0 = 2 * j
            i1 = 2 * j + 1
            pltpu.make_async_copy(g_hbm.at[rv(i0)], buf0, s0).wait()
            pltpu.async_copy(buf0, acc.at[cv(i0)], t0, add=True)
            pltpu.make_async_copy(g_hbm.at[rv(i1)], buf1, s1).wait()
            pltpu.async_copy(buf1, acc.at[cv(i1)], t1, add=True)
            pltpu.make_async_copy(buf0, acc.at[cv(i0)], t0).wait()

            @pl.when(i0 + 2 < NITER)
            def _():
                pltpu.async_copy(g_hbm.at[rv(i0 + 2)], buf0, s0)

            pltpu.make_async_copy(buf1, acc.at[cv(i1)], t1).wait()

            @pl.when(i1 + 2 < NITER)
            def _():
                pltpu.async_copy(g_hbm.at[rv(i1 + 2)], buf1, s1)

            return carry

        lax.fori_loop(0, NPAIRS, body, 0)
        plsc.subcore_barrier()
        pltpu.sync_copy(
            acc.at[pl.ds(sid * RPT, RPT), :],
            out_hbm.at[cid, pl.ds(sid * RPT, RPT), :],
        )

    return k(adj4d, g)


def _colvec(v):
    ii = lax.broadcasted_iota(jnp.int32, (128, 128), 0)
    jj = lax.broadcasted_iota(jnp.int32, (128, 128), 1)
    d = jnp.where(ii == jj, jnp.broadcast_to(v, (128, 128)), 0.0)
    return jnp.sum(d, axis=1, keepdims=True)


def _colvec_block(v):
    return jnp.concatenate(
        [_colvec(v[:, k * 128 : (k + 1) * 128]) for k in range(NB // 128)], axis=0
    )


def _rowmask(i, v):
    rid = i * NB + lax.broadcasted_iota(jnp.int32, v.shape, 0)
    return jnp.where(rid < N, v, 0.0)


def _tc_g(parts, x, w):

    def body(p_ref, x_ref, w_ref, o_ref, o16_ref):
        i = pl.program_id(0)
        p = p_ref[:, pl.ds(i * NB, NB)]
        d = jnp.sum(p, axis=0, keepdims=True) + 1.0
        dinv = lax.rsqrt(d)
        h = jnp.dot(
            _rowmask(i, x_ref[...]), w_ref[...], preferred_element_type=jnp.float32
        )
        g = h * _colvec_block(dinv)
        o_ref[...] = g
        o16_ref[...] = g.astype(jnp.bfloat16)

    return pl.pallas_call(
        body,
        grid=(NGRID,),
        in_specs=[
            pl.BlockSpec((NW, NP), lambda i: (0, 0)),
            pl.BlockSpec((NB, 128), lambda i: (i, 0)),
            pl.BlockSpec((128, 128), lambda i: (0, 0)),
        ],
        out_specs=[
            pl.BlockSpec((NB, 128), lambda i: (i, 0)),
            pl.BlockSpec((NB, 128), lambda i: (i, 0)),
        ],
        out_shape=[
            jax.ShapeDtypeStruct((N, 128), jnp.float32),
            jax.ShapeDtypeStruct((N, 128), jnp.bfloat16),
        ],
    )(parts, x, w)


def _tc_out(sparts, g, degparts, bc, pa, wl, bl):

    def body(s_ref, g_ref, p_ref, bc_ref, pa_ref, wl_ref, bl_ref, o_ref):
        i = pl.program_id(0)
        p = p_ref[:, pl.ds(i * NB, NB)]
        d = jnp.sum(p, axis=0, keepdims=True) + 1.0
        dinv = lax.rsqrt(d)
        s = _rowmask(
            i,
            s_ref[0].astype(jnp.float32) + s_ref[1].astype(jnp.float32) + g_ref[...],
        )
        agg = s * _colvec_block(dinv) + bc_ref[...]
        a = pa_ref[0, 0]
        act = jnp.where(agg > 0, agg, a * agg)
        o_ref[...] = (
            jnp.dot(act, wl_ref[...], preferred_element_type=jnp.float32) + bl_ref[...]
        )

    return pl.pallas_call(
        body,
        grid=(NGRID,),
        in_specs=[
            pl.BlockSpec((NC, NB, 128), lambda i: (0, i, 0)),
            pl.BlockSpec((NB, 128), lambda i: (i, 0)),
            pl.BlockSpec((NW, NP), lambda i: (0, 0)),
            pl.BlockSpec((1, 128), lambda i: (0, 0)),
            pl.BlockSpec((1, 1), lambda i: (0, 0)),
            pl.BlockSpec((128, 128), lambda i: (0, 0)),
            pl.BlockSpec((1, 128), lambda i: (0, 0)),
        ],
        out_specs=pl.BlockSpec((NB, 128), lambda i: (i, 0)),
        out_shape=jax.ShapeDtypeStruct((N, 128), jnp.float32),
    )(sparts, g, degparts, bc, pa, wl, bl)


def kernel(x, adj, W_conv, b_conv, prelu_a, W_lin, b_lin):
    degparts = _sc_hist(adj)
    g, g16 = _tc_g(degparts, x, W_conv)
    sparts = _sc_scatter(adj.reshape(2, NW, NITER, CHUNK), g16)
    return _tc_out(
        sparts,
        g,
        degparts,
        b_conv.reshape(1, 128),
        jnp.asarray(prelu_a, jnp.float32).reshape(1, 1),
        W_lin,
        b_lin.reshape(1, 128),
    )

# --- scband reference (transcript-rebuilt; emitter-appended) ---
"""Pipeline reference for scband-rect-l-50594714747240 (READ-ONLY COPY).

The authoritative reference and input builder live on the scoring server;
editing this copy changes nothing except your own understanding.
"""

import jax, jax.numpy as jnp
import numpy as np

N = 10000
E = 320000
IN_DIM = 128
HIDDEN = 128


def setup_inputs(seed: int = 0) -> dict:
    key = jax.random.key(seed)
    ks = jax.random.split(key, 5)
    x = jax.random.normal(ks[0], (N, IN_DIM), dtype=jnp.float32)
    adj = jax.random.randint(ks[1], (2, E), 0, N, dtype=jnp.int32)
    # GCNConv linear weight (no bias in PyG lin, but GCNConv adds its own bias)
    W_conv = jax.random.normal(ks[2], (IN_DIM, HIDDEN), dtype=jnp.float32) * (1.0 / np.sqrt(IN_DIM))
    b_conv = jnp.zeros((HIDDEN,), dtype=jnp.float32)
    # PReLU single learnable slope, torch default init 0.25
    prelu_a = jnp.float32(0.25)
    # Output linear (xavier_uniform init approximated by scaled normal)
    W_lin = jax.random.normal(ks[3], (HIDDEN, IN_DIM), dtype=jnp.float32) * (1.0 / np.sqrt(HIDDEN))
    b_lin = jnp.zeros((IN_DIM,), dtype=jnp.float32)
    return {"x": x, "adj": adj, "W_conv": W_conv, "b_conv": b_conv,
            "prelu_a": prelu_a, "W_lin": W_lin, "b_lin": b_lin}


def reference(x, adj, W_conv, b_conv, prelu_a, W_lin, b_lin):
    n = x.shape[0]
    row, col = adj[0], adj[1]
    # gcn_norm: add self-loops, symmetric normalization
    loop = jnp.arange(n, dtype=row.dtype)
    row = jnp.concatenate([row, loop])
    col = jnp.concatenate([col, loop])
    ew = jnp.ones(row.shape[0], dtype=x.dtype)
    deg = jnp.zeros((n,), dtype=x.dtype).at[col].add(ew)
    deg_inv_sqrt = jnp.where(deg > 0, jax.lax.rsqrt(jnp.where(deg > 0, deg, 1.0)), 0.0)
    norm = deg_inv_sqrt[row] * deg_inv_sqrt[col]
    # GCNConv: linear transform then normalized scatter-add aggregation
    h = x @ W_conv
    msg = h[row] * norm[:, None]
    agg = jnp.zeros((n, h.shape[1]), dtype=x.dtype).at[col].add(msg)
    agg = agg + b_conv
    # PReLU
    act = jnp.where(agg > 0, agg, prelu_a * agg)
    # dropout p=0.0 -> identity
    # final linear reconstructing in_dim features
    return act @ W_lin + b_lin

if __name__ == "__main__":
    import jax
    _d = setup_inputs()
    print(jax.jit(kernel)(*tuple(_d.values())))

</pallas_src>

<mosaic_0001>
#map = affine_map<(d0, d1) -> (0, 0)>
module attributes {stable_mosaic.version = 14 : i64} {
  func.func @k(%arg0: i32, %arg1: i32, %arg2: memref<2x320000xi32, #tpu.memory_space<hbm>>, %arg3: memref<32x10240xf32, #tpu.memory_space<hbm>>, %arg4: memref<10000xi32, #tpu.memory_space<vmem>>, %arg5: memref<10240xf32, #tpu.memory_space<vmem>>) attributes {dimension_semantics = [#tpu.dimension_semantics<core_parallel>, #tpu.dimension_semantics<subcore_parallel>], iteration_bounds = array<i64: 2, 16>, scalar_prefetch = 0 : i64, scratch_operands = 2 : i64, tpu.core_type = #tpu.core_type<sc_vector_subcore>, window_params = [{transform_indices = #map}, {transform_indices = #map}]} {
    %mul3A = arith.constant 16 : i32
    %mul3A_0 = arith.muli %arg0, %mul3A : i32
    %add3A = arith.addi %mul3A_0, %arg1 : i32
    %scan3A = arith.constant 0 : i32
    %scan3A_1 = arith.constant 0 : i32
    %scan3A_2 = arith.constant 640 : i32
    %scan3A_3 = arith.addi %scan3A_1, %scan3A_2 : i32
    %scan3A_4 = arith.constant 1 : i32
    scf.for %scan3A_15 = %scan3A_1 to %scan3A_3 step %scan3A_4  : i32 {
      %broadcast_in_dim3A_16 = arith.constant 0.000000e+00 : f32
      %broadcast_in_dim3A_17 = vector.broadcast %broadcast_in_dim3A_16 : f32 to vector<16xf32>
      %mul3A_18 = arith.constant 16 : i32
      %mul3A_19 = arith.muli %scan3A_15, %mul3A_18 : i32
      %swap3A = arith.index_cast %mul3A_19 : i32 to index
      %swap3A_20 = tpu.vector_load %arg5[%swap3A] {strides = array<i32>} : memref<10240xf32, #tpu.memory_space<vmem>>, vector<16xf32>,
      tpu.vector_store %arg5[%swap3A], %broadcast_in_dim3A_17 {strides = array<i32>} : memref<10240xf32, #tpu.memory_space<vmem>>, vector<16xf32>,
    }
    %scan3A_5 = arith.constant 640 : i32
    %mul3A_6 = arith.constant 10000 : i32
    %mul3A_7 = arith.muli %add3A, %mul3A_6 : i32
    %run_scoped3A = arith.constant 1 : i32
    "tpu.region"() ({
      %run_scoped3A_15 = tpu.sem_alloc : memref<!tpu.dma_semaphore, #tpu.memory_space<semaphore_mem>>
      %dma_start3A = tpu.memref_slice %arg2[%run_scoped3A, %mul3A_7] : memref<2x320000xi32, #tpu.memory_space<hbm>> -> memref<1x10000xi32, #tpu.memory_space<hbm>>
      %dma_start3A_16 = tpu.memref_squeeze %dma_start3A : memref<1x10000xi32, #tpu.memory_space<hbm>> -> memref<10000xi32, #tpu.memory_space<hbm>>
      %dma_start3A_17 = tpu.memref_slice %arg2[%run_scoped3A, %mul3A_7] : memref<2x320000xi32, #tpu.memory_space<hbm>> -> memref<1x10000xi32, #tpu.memory_space<hbm>>
      %dma_start3A_18 = tpu.memref_squeeze %dma_start3A_17 : memref<1x10000xi32, #tpu.memory_space<hbm>> -> memref<10000xi32, #tpu.memory_space<hbm>>
      tpu.enqueue_dma source(%dma_start3A_18 : memref<10000xi32, #tpu.memory_space<hbm>>) target(%arg4 : memref<10000xi32, #tpu.memory_space<vmem>>) target_semaphore(%run_scoped3A_15 : memref<!tpu.dma_semaphore, #tpu.memory_space<semaphore_mem>>)
      %dma_wait3A = tpu.memref_slice %arg2[%run_scoped3A, %mul3A_7] : memref<2x320000xi32, #tpu.memory_space<hbm>> -> memref<1x10000xi32, #tpu.memory_space<hbm>>
      %dma_wait3A_19 = tpu.memref_squeeze %dma_wait3A : memref<1x10000xi32, #tpu.memory_space<hbm>> -> memref<10000xi32, #tpu.memory_space<hbm>>
      %dma_wait3A_20 = tpu.memref_slice %arg2[%run_scoped3A, %mul3A_7] : memref<2x320000xi32, #tpu.memory_space<hbm>> -> memref<1x10000xi32, #tpu.memory_space<hbm>>
      %dma_wait3A_21 = tpu.memref_squeeze %dma_wait3A_20 : memref<1x10000xi32, #tpu.memory_space<hbm>> -> memref<10000xi32, #tpu.memory_space<hbm>>
      tpu.wait_dma2 semaphore(%run_scoped3A_15 : memref<!tpu.dma_semaphore, #tpu.memory_space<semaphore_mem>>) src(%dma_wait3A_21 : memref<10000xi32, #tpu.memory_space<hbm>>) dst(%arg4 : memref<10000xi32, #tpu.memory_space<vmem>>)
      tpu.yield
    }) : () -> ()
    %broadcast_in_dim3A = arith.constant 1.000000e+00 : f32
    %broadcast_in_dim3A_8 = vector.broadcast %broadcast_in_dim3A : f32 to vector<16xf32>
    %scan3A_9 = arith.constant 0 : i32
    %scan3A_10 = arith.constant 0 : i32
    %scan3A_11 = arith.constant 625 : i32
    %scan3A_12 = arith.addi %scan3A_10, %scan3A_11 : i32
    %scan3A_13 = arith.constant 1 : i32
    scf.for %scan3A_15 = %scan3A_10 to %scan3A_12 step %scan3A_13  : i32 {
      %mul3A_16 = arith.constant 16 : i32
      %mul3A_17 = arith.muli %scan3A_15, %mul3A_16 : i32
      %get3A = arith.index_cast %mul3A_17 : i32 to index
      %get3A_18 = tpu.vector_load %arg4[%get3A] {strides = array<i32>} : memref<10000xi32, #tpu.memory_space<vmem>>, vector<16xi32>,
      tpu.vector_store_idx %arg5[%get3A_18], %broadcast_in_dim3A_8 {add = true} : memref<10240xf32, #tpu.memory_space<vmem>>[vector<16xi32>], vector<16xf32>,
    }
    %scan3A_14 = arith.constant 625 : i32
    "tpu.region"() ({
      %run_scoped3A_15 = tpu.sem_alloc : memref<!tpu.dma_semaphore, #tpu.memory_space<semaphore_mem>>
      %dma_start3A = arith.constant 0 : i32
      %dma_start3A_16 = tpu.memref_slice %arg3[%add3A, %dma_start3A] : memref<32x10240xf32, #tpu.memory_space<hbm>> -> memref<1x10240xf32, #tpu.memory_space<hbm>>
      %dma_start3A_17 = tpu.memref_squeeze %dma_start3A_16 : memref<1x10240xf32, #tpu.memory_space<hbm>> -> memref<10240xf32, #tpu.memory_space<hbm>>
      %dma_start3A_18 = arith.constant 0 : i32
      %dma_start3A_19 = tpu.memref_slice %arg3[%add3A, %dma_start3A_18] : memref<32x10240xf32, #tpu.memory_space<hbm>> -> memref<1x10240xf32, #tpu.memory_space<hbm>>
      %dma_start3A_20 = tpu.memref_squeeze %dma_start3A_19 : memref<1x10240xf32, #tpu.memory_space<hbm>> -> memref<10240xf32, #tpu.memory_space<hbm>>
      tpu.enqueue_dma source(%arg5 : memref<10240xf32, #tpu.memory_space<vmem>>) target(%dma_start3A_20 : memref<10240xf32, #tpu.memory_space<hbm>>) target_semaphore(%run_scoped3A_15 : memref<!tpu.dma_semaphore, #tpu.memory_space<semaphore_mem>>)
      %dma_wait3A = arith.constant 0 : i32
      %dma_wait3A_21 = tpu.memref_slice %arg3[%add3A, %dma_wait3A] : memref<32x10240xf32, #tpu.memory_space<hbm>> -> memref<1x10240xf32, #tpu.memory_space<hbm>>
      %dma_wait3A_22 = tpu.memref_squeeze %dma_wait3A_21 : memref<1x10240xf32, #tpu.memory_space<hbm>> -> memref<10240xf32, #tpu.memory_space<hbm>>
      %dma_wait3A_23 = arith.constant 0 : i32
      %dma_wait3A_24 = tpu.memref_slice %arg3[%add3A, %dma_wait3A_23] : memref<32x10240xf32, #tpu.memory_space<hbm>> -> memref<1x10240xf32, #tpu.memory_space<hbm>>
      %dma_wait3A_25 = tpu.memref_squeeze %dma_wait3A_24 : memref<1x10240xf32, #tpu.memory_space<hbm>> -> memref<10240xf32, #tpu.memory_space<hbm>>
      tpu.wait_dma2 semaphore(%run_scoped3A_15 : memref<!tpu.dma_semaphore, #tpu.memory_space<semaphore_mem>>) src(%arg5 : memref<10240xf32, #tpu.memory_space<vmem>>) dst(%dma_wait3A_25 : memref<10240xf32, #tpu.memory_space<hbm>>)
      tpu.yield
    }) : () -> ()
    return
  }
}

#map = affine_map<(d0, d1) -> (0, 0, 0, 0)>
#map1 = affine_map<(d0, d1) -> (0, 0)>
#map2 = affine_map<(d0, d1) -> (0, 0, 0)>
module attributes {stable_mosaic.version = 14 : i64} {
  func.func @k(%arg0: i32, %arg1: i32, %arg2: memref<2x32x100x100xi32, #tpu.memory_space<hbm>>, %arg3: memref<10000x128xbf16, #tpu.memory_space<hbm>>, %arg4: memref<2x10112x128xbf16, #tpu.memory_space<hbm>>, %arg5: memref<100x100xi32, #tpu.memory_space<vmem>>, %arg6: memref<100x100xi32, #tpu.memory_space<vmem>>, %arg7: memref<100x128xbf16, #tpu.memory_space<vmem>>, %arg8: memref<100x128xbf16, #tpu.memory_space<vmem>>, %arg9: memref<10112x128xbf16, #tpu.memory_space<vmem_shared>>, %arg10: memref<!tpu.dma_semaphore, #tpu.memory_space<semaphore_mem>>, %arg11: memref<!tpu.dma_semaphore, #tpu.memory_space<semaphore_mem>>, %arg12: memref<!tpu.dma_semaphore, #tpu.memory_space<semaphore_mem>>, %arg13: memref<!tpu.dma_semaphore, #tpu.memory_space<semaphore_mem>>) attributes {dimension_semantics = [#tpu.dimension_semantics<core_parallel>, #tpu.dimension_semantics<subcore_parallel>], iteration_bounds = array<i64: 2, 16>, scalar_prefetch = 0 : i64, scratch_operands = 9 : i64, tpu.core_type = #tpu.core_type<sc_vector_subcore>, window_params = [{transform_indices = #map}, {transform_indices = #map1}, {transform_indices = #map2}]} {
    %mul3A = arith.constant 16 : i32
    %mul3A_0 = arith.muli %arg0, %mul3A : i32
    %add3A = arith.addi %mul3A_0, %arg1 : i32
    %scan3A = arith.constant 0 : i32
    %scan3A_1 = arith.constant 0 : i32
    %scan3A_2 = arith.constant 400 : i32
    %scan3A_3 = arith.addi %scan3A_1, %scan3A_2 : i32
    %scan3A_4 = arith.constant 1 : i32
    scf.for %scan3A_63 = %scan3A_1 to %scan3A_3 step %scan3A_4  : i32 {
      %jit3A = arith.constant 4 : i32
      %div3A = arith.divsi %scan3A_63, %jit3A : i32
      %sign3A = arith.constant 0 : i32
      %sign3A_64 = arith.cmpi sgt, %scan3A_63, %sign3A : i32
      %sign3A_65 = arith.extui %sign3A_64 : i1 to i32
      %sign3A_66 = arith.constant 0 : i32
      %sign3A_67 = arith.cmpi slt, %scan3A_63, %sign3A_66 : i32
      %sign3A_68 = arith.extui %sign3A_67 : i1 to i32
      %sign3A_69 = arith.subi %sign3A_65, %sign3A_68 : i32
      %sign3A_70 = arith.constant 0 : i32
      %sign3A_71 = arith.cmpi sgt, %jit3A, %sign3A_70 : i32
      %sign3A_72 = arith.extui %sign3A_71 : i1 to i32
      %sign3A_73 = arith.constant 0 : i32
      %sign3A_74 = arith.cmpi slt, %jit3A, %sign3A_73 : i32
      %sign3A_75 = arith.extui %sign3A_74 : i1 to i32
      %sign3A_76 = arith.subi %sign3A_72, %sign3A_75 : i32
      %ne3A = arith.cmpi ne, %sign3A_69, %sign3A_76 : i32
      %rem3A = arith.remsi %scan3A_63, %jit3A : i32
      %ne3A_77 = arith.constant 0 : i32
      %ne3A_78 = arith.cmpi ne, %rem3A, %ne3A_77 : i32
      %and3A = arith.andi %ne3A, %ne3A_78 : i1
      %sub3A = arith.constant 1 : i32
      %sub3A_79 = arith.subi %div3A, %sub3A : i32
      %select_n3A = arith.select %and3A, %sub3A_79, %div3A : i32
      %jit3A_80 = arith.constant 4 : i32
      %eq3A = arith.constant 0 : i32
      %eq3A_81 = arith.cmpi eq, %jit3A_80, %eq3A : i32
      %jit3A_82 = arith.constant 1 : i32
      %select_n3A_83 = arith.select %eq3A_81, %jit3A_82, %jit3A_80 : i32
      %rem3A_84 = arith.remsi %scan3A_63, %select_n3A_83 : i32
      %ne3A_85 = arith.constant 0 : i32
      %ne3A_86 = arith.cmpi ne, %rem3A_84, %ne3A_85 : i32
      %lt3A = arith.constant 0 : i32
      %lt3A_87 = arith.cmpi slt, %rem3A_84, %lt3A : i32
      %lt3A_88 = arith.constant 0 : i32
      %lt3A_89 = arith.cmpi slt, %select_n3A_83, %lt3A_88 : i32
      %ne3A_90 = arith.xori %lt3A_87, %lt3A_89 : i1
      %and3A_91 = arith.andi %ne3A_90, %ne3A_86 : i1
      %add3A_92 = arith.addi %rem3A_84, %select_n3A_83 : i32
      %select_n3A_93 = arith.select %and3A_91, %add3A_92, %rem3A_84 : i32
      %mul3A_94 = arith.constant 32 : i32
      %mul3A_95 = arith.muli %select_n3A_93, %mul3A_94 : i32
      %broadcast_in_dim3A = arith.constant 0.000000e+00 : bf16
      %broadcast_in_dim3A_96 = vector.broadcast %broadcast_in_dim3A : bf16 to vector<32xbf16>
      %swap3A = arith.index_cast %select_n3A : i32 to index
      %swap3A_97 = arith.index_cast %mul3A_95 : i32 to index
      %swap3A_98 = tpu.vector_load %arg7[%swap3A, %swap3A_97] {strides = array<i32>} : memref<100x128xbf16, #tpu.memory_space<vmem>>, vector<32xbf16>,
      tpu.vector_store %arg7[%swap3A, %swap3A_97], %broadcast_in_dim3A_96 {strides = array<i32>} : memref<100x128xbf16, #tpu.memory_space<vmem>>, vector<32xbf16>,
    }
    %scan3A_5 = arith.constant 400 : i32
    %mul3A_6 = arith.constant 632 : i32
    %mul3A_7 = arith.muli %arg1, %mul3A_6 : i32
    %add3A_8 = arith.constant 0 : i32
    %add3A_9 = arith.addi %mul3A_7, %add3A_8 : i32
    "tpu.region"() ({
      %run_scoped3A_63 = tpu.sem_alloc : memref<!tpu.dma_semaphore, #tpu.memory_space<semaphore_mem>>
      %dma_start3A_64 = arith.constant 0 : i32
      %dma_start3A_65 = arith.constant 0 : i32
      %dma_start3A_66 = tpu.memref_slice %arg7[%dma_start3A_64, %dma_start3A_65] : memref<100x128xbf16, #tpu.memory_space<vmem>> -> memref<79x128xbf16, #tpu.memory_space<vmem>>
      %dma_start3A_67 = arith.constant 0 : i32
      %dma_start3A_68 = tpu.memref_slice %arg9[%add3A_9, %dma_start3A_67] : memref<10112x128xbf16, #tpu.memory_space<vmem_shared>> -> memref<79x128xbf16, #tpu.memory_space<vmem_shared>>
      %dma_start3A_69 = arith.constant 0 : i32
      %dma_start3A_70 = tpu.memref_slice %arg9[%add3A_9, %dma_start3A_69] : memref<10112x128xbf16, #tpu.memory_space<vmem_shared>> -> memref<79x128xbf16, #tpu.memory_space<vmem_shared>>
      %dma_start3A_71 = arith.constant 0 : i32
      %dma_start3A_72 = arith.constant 0 : i32
      %dma_start3A_73 = tpu.memref_slice %arg7[%dma_start3A_71, %dma_start3A_72] : memref<100x128xbf16, #tpu.memory_space<vmem>> -> memref<79x128xbf16, #tpu.memory_space<vmem>>
      tpu.enqueue_dma source(%dma_start3A_73 : memref<79x128xbf16, #tpu.memory_space<vmem>>) target(%dma_start3A_70 : memref<79x128xbf16, #tpu.memory_space<vmem_shared>>) target_semaphore(%run_scoped3A_63 : memref<!tpu.dma_semaphore, #tpu.memory_space<semaphore_mem>>)
      %dma_wait3A = arith.constant 0 : i32
      %dma_wait3A_74 = arith.constant 0 : i32
      %dma_wait3A_75 = tpu.memref_slice %arg7[%dma_wait3A, %dma_wait3A_74] : memref<100x128xbf16, #tpu.memory_space<vmem>> -> memref<79x128xbf16, #tpu.memory_space<vmem>>
      %dma_wait3A_76 = arith.constant 0 : i32
      %dma_wait3A_77 = tpu.memref_slice %arg9[%add3A_9, %dma_wait3A_76] : memref<10112x128xbf16, #tpu.memory_space<vmem_shared>> -> memref<79x128xbf16, #tpu.memory_space<vmem_shared>>
      %dma_wait3A_78 = arith.constant 0 : i32
      %dma_wait3A_79 = tpu.memref_slice %arg9[%add3A_9, %dma_wait3A_78] : memref<10112x128xbf16, #tpu.memory_space<vmem_shared>> -> memref<79x128xbf16, #tpu.memory_space<vmem_shared>>
      %dma_wait3A_80 = arith.constant 0 : i32
      %dma_wait3A_81 = arith.constant 0 : i32
      %dma_wait3A_82 = tpu.memref_slice %arg7[%dma_wait3A_80, %dma_wait3A_81] : memref<100x128xbf16, #tpu.memory_space<vmem>> -> memref<79x128xbf16, #tpu.memory_space<vmem>>
      tpu.wait_dma2 semaphore(%run_scoped3A_63 : memref<!tpu.dma_semaphore, #tpu.memory_space<semaphore_mem>>) src(%dma_wait3A_82 : memref<79x128xbf16, #tpu.memory_space<vmem>>) dst(%dma_wait3A_79 : memref<79x128xbf16, #tpu.memory_space<vmem_shared>>)
      tpu.yield
    }) : () -> ()
    %mul3A_10 = arith.constant 632 : i32
    %mul3A_11 = arith.muli %arg1, %mul3A_10 : i32
    %add3A_12 = arith.constant 79 : i32
    %add3A_13 = arith.addi %mul3A_11, %add3A_12 : i32
    "tpu.region"() ({
      %run_scoped3A_63 = tpu.sem_alloc : memref<!tpu.dma_semaphore, #tpu.memory_space<semaphore_mem>>
      %dma_start3A_64 = arith.constant 0 : i32
      %dma_start3A_65 = arith.constant 0 : i32
      %dma_start3A_66 = tpu.memref_slice %arg7[%dma_start3A_64, %dma_start3A_65] : memref<100x128xbf16, #tpu.memory_space<vmem>> -> memref<79x128xbf16, #tpu.memory_space<vmem>>
      %dma_start3A_67 = arith.constant 0 : i32
      %dma_start3A_68 = tpu.memref_slice %arg9[%add3A_13, %dma_start3A_67] : memref<10112x128xbf16, #tpu.memory_space<vmem_shared>> -> memref<79x128xbf16, #tpu.memory_space<vmem_shared>>
      %dma_start3A_69 = arith.constant 0 : i32
      %dma_start3A_70 = tpu.memref_slice %arg9[%add3A_13, %dma_start3A_69] : memref<10112x128xbf16, #tpu.memory_space<vmem_shared>> -> memref<79x128xbf16, #tpu.memory_space<vmem_shared>>
      %dma_start3A_71 = arith.constant 0 : i32
      %dma_start3A_72 = arith.constant 0 : i32
      %dma_start3A_73 = tpu.memref_slice %arg7[%dma_start3A_71, %dma_start3A_72] : memref<100x128xbf16, #tpu.memory_space<vmem>> -> memref<79x128xbf16, #tpu.memory_space<vmem>>
      tpu.enqueue_dma source(%dma_start3A_73 : memref<79x128xbf16, #tpu.memory_space<vmem>>) target(%dma_start3A_70 : memref<79x128xbf16, #tpu.memory_space<vmem_shared>>) target_semaphore(%run_scoped3A_63 : memref<!tpu.dma_semaphore, #tpu.memory_space<semaphore_mem>>)
      %dma_wait3A = arith.constant 0 : i32
      %dma_wait3A_74 = arith.constant 0 : i32
      %dma_wait3A_75 = tpu.memref_slice %arg7[%dma_wait3A, %dma_wait3A_74] : memref<100x128xbf16, #tpu.memory_space<vmem>> -> memref<79x128xbf16, #tpu.memory_space<vmem>>
      %dma_wait3A_76 = arith.constant 0 : i32
      %dma_wait3A_77 = tpu.memref_slice %arg9[%add3A_13, %dma_wait3A_76] : memref<10112x128xbf16, #tpu.memory_space<vmem_shared>> -> memref<79x128xbf16, #tpu.memory_space<vmem_shared>>
      %dma_wait3A_78 = arith.constant 0 : i32
      %dma_wait3A_79 = tpu.memref_slice %arg9[%add3A_13, %dma_wait3A_78] : memref<10112x128xbf16, #tpu.memory_space<vmem_shared>> -> memref<79x128xbf16, #tpu.memory_space<vmem_shared>>
      %dma_wait3A_80 = arith.constant 0 : i32
      %dma_wait3A_81 = arith.constant 0 : i32
      %dma_wait3A_82 = tpu.memref_slice %arg7[%dma_wait3A_80, %dma_wait3A_81] : memref<100x128xbf16, #tpu.memory_space<vmem>> -> memref<79x128xbf16, #tpu.memory_space<vmem>>
      tpu.wait_dma2 semaphore(%run_scoped3A_63 : memref<!tpu.dma_semaphore, #tpu.memory_space<semaphore_mem>>) src(%dma_wait3A_82 : memref<79x128xbf16, #tpu.memory_space<vmem>>) dst(%dma_wait3A_79 : memref<79x128xbf16, #tpu.memory_space<vmem_shared>>)
      tpu.yield
    }) : () -> ()
    %mul3A_14 = arith.constant 632 : i32
    %mul3A_15 = arith.muli %arg1, %mul3A_14 : i32
    %add3A_16 = arith.constant 158 : i32
    %add3A_17 = arith.addi %mul3A_15, %add3A_16 : i32
    "tpu.region"() ({
      %run_scoped3A_63 = tpu.sem_alloc : memref<!tpu.dma_semaphore, #tpu.memory_space<semaphore_mem>>
      %dma_start3A_64 = arith.constant 0 : i32
      %dma_start3A_65 = arith.constant 0 : i32
      %dma_start3A_66 = tpu.memref_slice %arg7[%dma_start3A_64, %dma_start3A_65] : memref<100x128xbf16, #tpu.memory_space<vmem>> -> memref<79x128xbf16, #tpu.memory_space<vmem>>
      %dma_start3A_67 = arith.constant 0 : i32
      %dma_start3A_68 = tpu.memref_slice %arg9[%add3A_17, %dma_start3A_67] : memref<10112x128xbf16, #tpu.memory_space<vmem_shared>> -> memref<79x128xbf16, #tpu.memory_space<vmem_shared>>
      %dma_start3A_69 = arith.constant 0 : i32
      %dma_start3A_70 = tpu.memref_slice %arg9[%add3A_17, %dma_start3A_69] : memref<10112x128xbf16, #tpu.memory_space<vmem_shared>> -> memref<79x128xbf16, #tpu.memory_space<vmem_shared>>
      %dma_start3A_71 = arith.constant 0 : i32
      %dma_start3A_72 = arith.constant 0 : i32
      %dma_start3A_73 = tpu.memref_slice %arg7[%dma_start3A_71, %dma_start3A_72] : memref<100x128xbf16, #tpu.memory_space<vmem>> -> memref<79x128xbf16, #tpu.memory_space<vmem>>
      tpu.enqueue_dma source(%dma_start3A_73 : memref<79x128xbf16, #tpu.memory_space<vmem>>) target(%dma_start3A_70 : memref<79x128xbf16, #tpu.memory_space<vmem_shared>>) target_semaphore(%run_scoped3A_63 : memref<!tpu.dma_semaphore, #tpu.memory_space<semaphore_mem>>)
      %dma_wait3A = arith.constant 0 : i32
      %dma_wait3A_74 = arith.constant 0 : i32
      %dma_wait3A_75 = tpu.memref_slice %arg7[%dma_wait3A, %dma_wait3A_74] : memref<100x128xbf16, #tpu.memory_space<vmem>> -> memref<79x128xbf16, #tpu.memory_space<vmem>>
      %dma_wait3A_76 = arith.constant 0 : i32
      %dma_wait3A_77 = tpu.memref_slice %arg9[%add3A_17, %dma_wait3A_76] : memref<10112x128xbf16, #tpu.memory_space<vmem_shared>> -> memref<79x128xbf16, #tpu.memory_space<vmem_shared>>
      %dma_wait3A_78 = arith.constant 0 : i32
      %dma_wait3A_79 = tpu.memref_slice %arg9[%add3A_17, %dma_wait3A_78] : memref<10112x128xbf16, #tpu.memory_space<vmem_shared>> -> memref<79x128xbf16, #tpu.memory_space<vmem_shared>>
      %dma_wait3A_80 = arith.constant 0 : i32
      %dma_wait3A_81 = arith.constant 0 : i32
      %dma_wait3A_82 = tpu.memref_slice %arg7[%dma_wait3A_80, %dma_wait3A_81] : memref<100x128xbf16, #tpu.memory_space<vmem>> -> memref<79x128xbf16, #tpu.memory_space<vmem>>
      tpu.wait_dma2 semaphore(%run_scoped3A_63 : memref<!tpu.dma_semaphore, #tpu.memory_space<semaphore_mem>>) src(%dma_wait3A_82 : memref<79x128xbf16, #tpu.memory_space<vmem>>) dst(%dma_wait3A_79 : memref<79x128xbf16, #tpu.memory_space<vmem_shared>>)
      tpu.yield
    }) : () -> ()
    %mul3A_18 = arith.constant 632 : i32
    %mul3A_19 = arith.muli %arg1, %mul3A_18 : i32
    %add3A_20 = arith.constant 237 : i32
    %add3A_21 = arith.addi %mul3A_19, %add3A_20 : i32
    "tpu.region"() ({
      %run_scoped3A_63 = tpu.sem_alloc : memref<!tpu.dma_semaphore, #tpu.memory_space<semaphore_mem>>
      %dma_start3A_64 = arith.constant 0 : i32
      %dma_start3A_65 = arith.constant 0 : i32
      %dma_start3A_66 = tpu.memref_slice %arg7[%dma_start3A_64, %dma_start3A_65] : memref<100x128xbf16, #tpu.memory_space<vmem>> -> memref<79x128xbf16, #tpu.memory_space<vmem>>
      %dma_start3A_67 = arith.constant 0 : i32
      %dma_start3A_68 = tpu.memref_slice %arg9[%add3A_21, %dma_start3A_67] : memref<10112x128xbf16, #tpu.memory_space<vmem_shared>> -> memref<79x128xbf16, #tpu.memory_space<vmem_shared>>
      %dma_start3A_69 = arith.constant 0 : i32
      %dma_start3A_70 = tpu.memref_slice %arg9[%add3A_21, %dma_start3A_69] : memref<10112x128xbf16, #tpu.memory_space<vmem_shared>> -> memref<79x128xbf16, #tpu.memory_space<vmem_shared>>
      %dma_start3A_71 = arith.constant 0 : i32
      %dma_start3A_72 = arith.constant 0 : i32
      %dma_start3A_73 = tpu.memref_slice %arg7[%dma_start3A_71, %dma_start3A_72] : memref<100x128xbf16, #tpu.memory_space<vmem>> -> memref<79x128xbf16, #tpu.memory_space<vmem>>
      tpu.enqueue_dma source(%dma_start3A_73 : memref<79x128xbf16, #tpu.memory_space<vmem>>) target(%dma_start3A_70 : memref<79x128xbf16, #tpu.memory_space<vmem_shared>>) target_semaphore(%run_scoped3A_63 : memref<!tpu.dma_semaphore, #tpu.memory_space<semaphore_mem>>)
      %dma_wait3A = arith.constant 0 : i32
      %dma_wait3A_74 = arith.constant 0 : i32
      %dma_wait3A_75 = tpu.memref_slice %arg7[%dma_wait3A, %dma_wait3A_74] : memref<100x128xbf16, #tpu.memory_space<vmem>> -> memref<79x128xbf16, #tpu.memory_space<vmem>>
      %dma_wait3A_76 = arith.constant 0 : i32
      %dma_wait3A_77 = tpu.memref_slice %arg9[%add3A_21, %dma_wait3A_76] : memref<10112x128xbf16, #tpu.memory_space<vmem_shared>> -> memref<79x128xbf16, #tpu.memory_space<vmem_shared>>
      %dma_wait3A_78 = arith.constant 0 : i32
      %dma_wait3A_79 = tpu.memref_slice %arg9[%add3A_21, %dma_wait3A_78] : memref<10112x128xbf16, #tpu.memory_space<vmem_shared>> -> memref<79x128xbf16, #tpu.memory_space<vmem_shared>>
      %dma_wait3A_80 = arith.constant 0 : i32
      %dma_wait3A_81 = arith.constant 0 : i32
      %dma_wait3A_82 = tpu.memref_slice %arg7[%dma_wait3A_80, %dma_wait3A_81] : memref<100x128xbf16, #tpu.memory_space<vmem>> -> memref<79x128xbf16, #tpu.memory_space<vmem>>
      tpu.wait_dma2 semaphore(%run_scoped3A_63 : memref<!tpu.dma_semaphore, #tpu.memory_space<semaphore_mem>>) src(%dma_wait3A_82 : memref<79x128xbf16, #tpu.memory_space<vmem>>) dst(%dma_wait3A_79 : memref<79x128xbf16, #tpu.memory_space<vmem_shared>>)
      tpu.yield
    }) : () -> ()
    %mul3A_22 = arith.constant 632 : i32
    %mul3A_23 = arith.muli %arg1, %mul3A_22 : i32
    %add3A_24 = arith.constant 316 : i32
    %add3A_25 = arith.addi %mul3A_23, %add3A_24 : i32
    "tpu.region"() ({
      %run_scoped3A_63 = tpu.sem_alloc : memref<!tpu.dma_semaphore, #tpu.memory_space<semaphore_mem>>
      %dma_start3A_64 = arith.constant 0 : i32
      %dma_start3A_65 = arith.constant 0 : i32
      %dma_start3A_66 = tpu.memref_slice %arg7[%dma_start3A_64, %dma_start3A_65] : memref<100x128xbf16, #tpu.memory_space<vmem>> -> memref<79x128xbf16, #tpu.memory_space<vmem>>
      %dma_start3A_67 = arith.constant 0 : i32
      %dma_start3A_68 = tpu.memref_slice %arg9[%add3A_25, %dma_start3A_67] : memref<10112x128xbf16, #tpu.memory_space<vmem_shared>> -> memref<79x128xbf16, #tpu.memory_space<vmem_shared>>
      %dma_start3A_69 = arith.constant 0 : i32
      %dma_start3A_70 = tpu.memref_slice %arg9[%add3A_25, %dma_start3A_69] : memref<10112x128xbf16, #tpu.memory_space<vmem_shared>> -> memref<79x128xbf16, #tpu.memory_space<vmem_shared>>
      %dma_start3A_71 = arith.constant 0 : i32
      %dma_start3A_72 = arith.constant 0 : i32
      %dma_start3A_73 = tpu.memref_slice %arg7[%dma_start3A_71, %dma_start3A_72] : memref<100x128xbf16, #tpu.memory_space<vmem>> -> memref<79x128xbf16, #tpu.memory_space<vmem>>
      tpu.enqueue_dma source(%dma_start3A_73 : memref<79x128xbf16, #tpu.memory_space<vmem>>) target(%dma_start3A_70 : memref<79x128xbf16, #tpu.memory_space<vmem_shared>>) target_semaphore(%run_scoped3A_63 : memref<!tpu.dma_semaphore, #tpu.memory_space<semaphore_mem>>)
      %dma_wait3A = arith.constant 0 : i32
      %dma_wait3A_74 = arith.constant 0 : i32
      %dma_wait3A_75 = tpu.memref_slice %arg7[%dma_wait3A, %dma_wait3A_74] : memref<100x128xbf16, #tpu.memory_space<vmem>> -> memref<79x128xbf16, #tpu.memory_space<vmem>>
      %dma_wait3A_76 = arith.constant 0 : i32
      %dma_wait3A_77 = tpu.memref_slice %arg9[%add3A_25, %dma_wait3A_76] : memref<10112x128xbf16, #tpu.memory_space<vmem_shared>> -> memref<79x128xbf16, #tpu.memory_space<vmem_shared>>
      %dma_wait3A_78 = arith.constant 0 : i32
      %dma_wait3A_79 = tpu.memref_slice %arg9[%add3A_25, %dma_wait3A_78] : memref<10112x128xbf16, #tpu.memory_space<vmem_shared>> -> memref<79x128xbf16, #tpu.memory_space<vmem_shared>>
      %dma_wait3A_80 = arith.constant 0 : i32
      %dma_wait3A_81 = arith.constant 0 : i32
      %dma_wait3A_82 = tpu.memref_slice %arg7[%dma_wait3A_80, %dma_wait3A_81] : memref<100x128xbf16, #tpu.memory_space<vmem>> -> memref<79x128xbf16, #tpu.memory_space<vmem>>
      tpu.wait_dma2 semaphore(%run_scoped3A_63 : memref<!tpu.dma_semaphore, #tpu.memory_space<semaphore_mem>>) src(%dma_wait3A_82 : memref<79x128xbf16, #tpu.memory_space<vmem>>) dst(%dma_wait3A_79 : memref<79x128xbf16, #tpu.memory_space<vmem_shared>>)
      tpu.yield
    }) : () -> ()
    %mul3A_26 = arith.constant 632 : i32
    %mul3A_27 = arith.muli %arg1, %mul3A_26 : i32
    %add3A_28 = arith.constant 395 : i32
    %add3A_29 = arith.addi %mul3A_27, %add3A_28 : i32
    "tpu.region"() ({
      %run_scoped3A_63 = tpu.sem_alloc : memref<!tpu.dma_semaphore, #tpu.memory_space<semaphore_mem>>
      %dma_start3A_64 = arith.constant 0 : i32
      %dma_start3A_65 = arith.constant 0 : i32
      %dma_start3A_66 = tpu.memref_slice %arg7[%dma_start3A_64, %dma_start3A_65] : memref<100x128xbf16, #tpu.memory_space<vmem>> -> memref<79x128xbf16, #tpu.memory_space<vmem>>
      %dma_start3A_67 = arith.constant 0 : i32
      %dma_start3A_68 = tpu.memref_slice %arg9[%add3A_29, %dma_start3A_67] : memref<10112x128xbf16, #tpu.memory_space<vmem_shared>> -> memref<79x128xbf16, #tpu.memory_space<vmem_shared>>
      %dma_start3A_69 = arith.constant 0 : i32
      %dma_start3A_70 = tpu.memref_slice %arg9[%add3A_29, %dma_start3A_69] : memref<10112x128xbf16, #tpu.memory_space<vmem_shared>> -> memref<79x128xbf16, #tpu.memory_space<vmem_shared>>
      %dma_start3A_71 = arith.constant 0 : i32
      %dma_start3A_72 = arith.constant 0 : i32
      %dma_start3A_73 = tpu.memref_slice %arg7[%dma_start3A_71, %dma_start3A_72] : memref<100x128xbf16, #tpu.memory_space<vmem>> -> memref<79x128xbf16, #tpu.memory_space<vmem>>
      tpu.enqueue_dma source(%dma_start3A_73 : memref<79x128xbf16, #tpu.memory_space<vmem>>) target(%dma_start3A_70 : memref<79x128xbf16, #tpu.memory_space<vmem_shared>>) target_semaphore(%run_scoped3A_63 : memref<!tpu.dma_semaphore, #tpu.memory_space<semaphore_mem>>)
      %dma_wait3A = arith.constant 0 : i32
      %dma_wait3A_74 = arith.constant 0 : i32
      %dma_wait3A_75 = tpu.memref_slice %arg7[%dma_wait3A, %dma_wait3A_74] : memref<100x128xbf16, #tpu.memory_space<vmem>> -> memref<79x128xbf16, #tpu.memory_space<vmem>>
      %dma_wait3A_76 = arith.constant 0 : i32
      %dma_wait3A_77 = tpu.memref_slice %arg9[%add3A_29, %dma_wait3A_76] : memref<10112x128xbf16, #tpu.memory_space<vmem_shared>> -> memref<79x128xbf16, #tpu.memory_space<vmem_shared>>
      %dma_wait3A_78 = arith.constant 0 : i32
      %dma_wait3A_79 = tpu.memref_slice %arg9[%add3A_29, %dma_wait3A_78] : memref<10112x128xbf16, #tpu.memory_space<vmem_shared>> -> memref<79x128xbf16, #tpu.memory_space<vmem_shared>>
      %dma_wait3A_80 = arith.constant 0 : i32
      %dma_wait3A_81 = arith.constant 0 : i32
      %dma_wait3A_82 = tpu.memref_slice %arg7[%dma_wait3A_80, %dma_wait3A_81] : memref<100x128xbf16, #tpu.memory_space<vmem>> -> memref<79x128xbf16, #tpu.memory_space<vmem>>
      tpu.wait_dma2 semaphore(%run_scoped3A_63 : memref<!tpu.dma_semaphore, #tpu.memory_space<semaphore_mem>>) src(%dma_wait3A_82 : memref<79x128xbf16, #tpu.memory_space<vmem>>) dst(%dma_wait3A_79 : memref<79x128xbf16, #tpu.memory_space<vmem_shared>>)
      tpu.yield
    }) : () -> ()
    %mul3A_30 = arith.constant 632 : i32
    %mul3A_31 = arith.muli %arg1, %mul3A_30 : i32
    %add3A_32 = arith.constant 474 : i32
    %add3A_33 = arith.addi %mul3A_31, %add3A_32 : i32
    "tpu.region"() ({
      %run_scoped3A_63 = tpu.sem_alloc : memref<!tpu.dma_semaphore, #tpu.memory_space<semaphore_mem>>
      %dma_start3A_64 = arith.constant 0 : i32
      %dma_start3A_65 = arith.constant 0 : i32
      %dma_start3A_66 = tpu.memref_slice %arg7[%dma_start3A_64, %dma_start3A_65] : memref<100x128xbf16, #tpu.memory_space<vmem>> -> memref<79x128xbf16, #tpu.memory_space<vmem>>
      %dma_start3A_67 = arith.constant 0 : i32
      %dma_start3A_68 = tpu.memref_slice %arg9[%add3A_33, %dma_start3A_67] : memref<10112x128xbf16, #tpu.memory_space<vmem_shared>> -> memref<79x128xbf16, #tpu.memory_space<vmem_shared>>
      %dma_start3A_69 = arith.constant 0 : i32
      %dma_start3A_70 = tpu.memref_slice %arg9[%add3A_33, %dma_start3A_69] : memref<10112x128xbf16, #tpu.memory_space<vmem_shared>> -> memref<79x128xbf16, #tpu.memory_space<vmem_shared>>
      %dma_start3A_71 = arith.constant 0 : i32
      %dma_start3A_72 = arith.constant 0 : i32
      %dma_start3A_73 = tpu.memref_slice %arg7[%dma_start3A_71, %dma_start3A_72] : memref<100x128xbf16, #tpu.memory_space<vmem>> -> memref<79x128xbf16, #tpu.memory_space<vmem>>
      tpu.enqueue_dma source(%dma_start3A_73 : memref<79x128xbf16, #tpu.memory_space<vmem>>) target(%dma_start3A_70 : memref<79x128xbf16, #tpu.memory_space<vmem_shared>>) target_semaphore(%run_scoped3A_63 : memref<!tpu.dma_semaphore, #tpu.memory_space<semaphore_mem>>)
      %dma_wait3A = arith.constant 0 : i32
      %dma_wait3A_74 = arith.constant 0 : i32
      %dma_wait3A_75 = tpu.memref_slice %arg7[%dma_wait3A, %dma_wait3A_74] : memref<100x128xbf16, #tpu.memory_space<vmem>> -> memref<79x128xbf16, #tpu.memory_space<vmem>>
      %dma_wait3A_76 = arith.constant 0 : i32
      %dma_wait3A_77 = tpu.memref_slice %arg9[%add3A_33, %dma_wait3A_76] : memref<10112x128xbf16, #tpu.memory_space<vmem_shared>> -> memref<79x128xbf16, #tpu.memory_space<vmem_shared>>
      %dma_wait3A_78 = arith.constant 0 : i32
      %dma_wait3A_79 = tpu.memref_slice %arg9[%add3A_33, %dma_wait3A_78] : memref<10112x128xbf16, #tpu.memory_space<vmem_shared>> -> memref<79x128xbf16, #tpu.memory_space<vmem_shared>>
      %dma_wait3A_80 = arith.constant 0 : i32
      %dma_wait3A_81 = arith.constant 0 : i32
      %dma_wait3A_82 = tpu.memref_slice %arg7[%dma_wait3A_80, %dma_wait3A_81] : memref<100x128xbf16, #tpu.memory_space<vmem>> -> memref<79x128xbf16, #tpu.memory_space<vmem>>
      tpu.wait_dma2 semaphore(%run_scoped3A_63 : memref<!tpu.dma_semaphore, #tpu.memory_space<semaphore_mem>>) src(%dma_wait3A_82 : memref<79x128xbf16, #tpu.memory_space<vmem>>) dst(%dma_wait3A_79 : memref<79x128xbf16, #tpu.memory_space<vmem_shared>>)
      tpu.yield
    }) : () -> ()
    %mul3A_34 = arith.constant 632 : i32
    %mul3A_35 = arith.muli %arg1, %mul3A_34 : i32
    %add3A_36 = arith.constant 553 : i32
    %add3A_37 = arith.addi %mul3A_35, %add3A_36 : i32
    "tpu.region"() ({
      %run_scoped3A_63 = tpu.sem_alloc : memref<!tpu.dma_semaphore, #tpu.memory_space<semaphore_mem>>
      %dma_start3A_64 = arith.constant 0 : i32
      %dma_start3A_65 = arith.constant 0 : i32
      %dma_start3A_66 = tpu.memref_slice %arg7[%dma_start3A_64, %dma_start3A_65] : memref<100x128xbf16, #tpu.memory_space<vmem>> -> memref<79x128xbf16, #tpu.memory_space<vmem>>
      %dma_start3A_67 = arith.constant 0 : i32
      %dma_start3A_68 = tpu.memref_slice %arg9[%add3A_37, %dma_start3A_67] : memref<10112x128xbf16, #tpu.memory_space<vmem_shared>> -> memref<79x128xbf16, #tpu.memory_space<vmem_shared>>
      %dma_start3A_69 = arith.constant 0 : i32
      %dma_start3A_70 = tpu.memref_slice %arg9[%add3A_37, %dma_start3A_69] : memref<10112x128xbf16, #tpu.memory_space<vmem_shared>> -> memref<79x128xbf16, #tpu.memory_space<vmem_shared>>
      %dma_start3A_71 = arith.constant 0 : i32
      %dma_start3A_72 = arith.constant 0 : i32
      %dma_start3A_73 = tpu.memref_slice %arg7[%dma_start3A_71, %dma_start3A_72] : memref<100x128xbf16, #tpu.memory_space<vmem>> -> memref<79x128xbf16, #tpu.memory_space<vmem>>
      tpu.enqueue_dma source(%dma_start3A_73 : memref<79x128xbf16, #tpu.memory_space<vmem>>) target(%dma_start3A_70 : memref<79x128xbf16, #tpu.memory_space<vmem_shared>>) target_semaphore(%run_scoped3A_63 : memref<!tpu.dma_semaphore, #tpu.memory_space<semaphore_mem>>)
      %dma_wait3A = arith.constant 0 : i32
      %dma_wait3A_74 = arith.constant 0 : i32
      %dma_wait3A_75 = tpu.memref_slice %arg7[%dma_wait3A, %dma_wait3A_74] : memref<100x128xbf16, #tpu.memory_space<vmem>> -> memref<79x128xbf16, #tpu.memory_space<vmem>>
      %dma_wait3A_76 = arith.constant 0 : i32
      %dma_wait3A_77 = tpu.memref_slice %arg9[%add3A_37, %dma_wait3A_76] : memref<10112x128xbf16, #tpu.memory_space<vmem_shared>> -> memref<79x128xbf16, #tpu.memory_space<vmem_shared>>
      %dma_wait3A_78 = arith.constant 0 : i32
      %dma_wait3A_79 = tpu.memref_slice %arg9[%add3A_37, %dma_wait3A_78] : memref<10112x128xbf16, #tpu.memory_space<vmem_shared>> -> memref<79x128xbf16, #tpu.memory_space<vmem_shared>>
      %dma_wait3A_80 = arith.constant 0 : i32
      %dma_wait3A_81 = arith.constant 0 : i32
      %dma_wait3A_82 = tpu.memref_slice %arg7[%dma_wait3A_80, %dma_wait3A_81] : memref<100x128xbf16, #tpu.memory_space<vmem>> -> memref<79x128xbf16, #tpu.memory_space<vmem>>
      tpu.wait_dma2 semaphore(%run_scoped3A_63 : memref<!tpu.dma_semaphore, #tpu.memory_space<semaphore_mem>>) src(%dma_wait3A_82 : memref<79x128xbf16, #tpu.memory_space<vmem>>) dst(%dma_wait3A_79 : memref<79x128xbf16, #tpu.memory_space<vmem_shared>>)
      tpu.yield
    }) : () -> ()
    %run_scoped3A = arith.constant 0 : i32
    "tpu.region"() ({
      %run_scoped3A_63 = tpu.sem_alloc : memref<!tpu.dma_semaphore, #tpu.memory_space<semaphore_mem>>
      %dma_start3A_64 = arith.constant 0 : i32
      %dma_start3A_65 = arith.constant 0 : i32
      %dma_start3A_66 = tpu.memref_slice %arg2[%run_scoped3A, %add3A, %dma_start3A_64, %dma_start3A_65] : memref<2x32x100x100xi32, #tpu.memory_space<hbm>> -> memref<1x1x100x100xi32, #tpu.memory_space<hbm>>
      %dma_start3A_67 = tpu.memref_squeeze %dma_start3A_66 : memref<1x1x100x100xi32, #tpu.memory_space<hbm>> -> memref<100x100xi32, #tpu.memory_space<hbm>>
      %dma_start3A_68 = arith.constant 0 : i32
      %dma_start3A_69 = arith.constant 0 : i32
      %dma_start3A_70 = tpu.memref_slice %arg2[%run_scoped3A, %add3A, %dma_start3A_68, %dma_start3A_69] : memref<2x32x100x100xi32, #tpu.memory_space<hbm>> -> memref<1x1x100x100xi32, #tpu.memory_space<hbm>>
      %dma_start3A_71 = tpu.memref_squeeze %dma_start3A_70 : memref<1x1x100x100xi32, #tpu.memory_space<hbm>> -> memref<100x100xi32, #tpu.memory_space<hbm>>
      tpu.enqueue_dma source(%dma_start3A_71 : memref<100x100xi32, #tpu.memory_space<hbm>>) target(%arg5 : memref<100x100xi32, #tpu.memory_space<vmem>>) target_semaphore(%run_scoped3A_63 : memref<!tpu.dma_semaphore, #tpu.memory_space<semaphore_mem>>)
      %dma_wait3A = arith.constant 0 : i32
      %dma_wait3A_72 = arith.constant 0 : i32
      %dma_wait3A_73 = tpu.memref_slice %arg2[%run_scoped3A, %add3A, %dma_wait3A, %dma_wait3A_72] : memref<2x32x100x100xi32, #tpu.memory_space<hbm>> -> memref<1x1x100x100xi32, #tpu.memory_space<hbm>>
      %dma_wait3A_74 = tpu.memref_squeeze %dma_wait3A_73 : memref<1x1x100x100xi32, #tpu.memory_space<hbm>> -> memref<100x100xi32, #tpu.memory_space<hbm>>
      %dma_wait3A_75 = arith.constant 0 : i32
      %dma_wait3A_76 = arith.constant 0 : i32
      %dma_wait3A_77 = tpu.memref_slice %arg2[%run_scoped3A, %add3A, %dma_wait3A_75, %dma_wait3A_76] : memref<2x32x100x100xi32, #tpu.memory_space<hbm>> -> memref<1x1x100x100xi32, #tpu.memory_space<hbm>>
      %dma_wait3A_78 = tpu.memref_squeeze %dma_wait3A_77 : memref<1x1x100x100xi32, #tpu.memory_space<hbm>> -> memref<100x100xi32, #tpu.memory_space<hbm>>
      tpu.wait_dma2 semaphore(%run_scoped3A_63 : memref<!tpu.dma_semaphore, #tpu.memory_space<semaphore_mem>>) src(%dma_wait3A_78 : memref<100x100xi32, #tpu.memory_space<hbm>>) dst(%arg5 : memref<100x100xi32, #tpu.memory_space<vmem>>)
      tpu.yield
    }) : () -> ()
    %run_scoped3A_38 = arith.constant 1 : i32
    "tpu.region"() ({
      %run_scoped3A_63 = tpu.sem_alloc : memref<!tpu.dma_semaphore, #tpu.memory_space<semaphore_mem>>
      %dma_start3A_64 = arith.constant 0 : i32
      %dma_start3A_65 = arith.constant 0 : i32
      %dma_start3A_66 = tpu.memref_slice %arg2[%run_scoped3A_38, %add3A, %dma_start3A_64, %dma_start3A_65] : memref<2x32x100x100xi32, #tpu.memory_space<hbm>> -> memref<1x1x100x100xi32, #tpu.memory_space<hbm>>
      %dma_start3A_67 = tpu.memref_squeeze %dma_start3A_66 : memref<1x1x100x100xi32, #tpu.memory_space<hbm>> -> memref<100x100xi32, #tpu.memory_space<hbm>>
      %dma_start3A_68 = arith.constant 0 : i32
      %dma_start3A_69 = arith.constant 0 : i32
      %dma_start3A_70 = tpu.memref_slice %arg2[%run_scoped3A_38, %add3A, %dma_start3A_68, %dma_start3A_69] : memref<2x32x100x100xi32, #tpu.memory_space<hbm>> -> memref<1x1x100x100xi32, #tpu.memory_space<hbm>>
      %dma_start3A_71 = tpu.memref_squeeze %dma_start3A_70 : memref<1x1x100x100xi32, #tpu.memory_space<hbm>> -> memref<100x100xi32, #tpu.memory_space<hbm>>
      tpu.enqueue_dma source(%dma_start3A_71 : memref<100x100xi32, #tpu.memory_space<hbm>>) target(%arg6 : memref<100x100xi32, #tpu.memory_space<vmem>>) target_semaphore(%run_scoped3A_63 : memref<!tpu.dma_semaphore, #tpu.memory_space<semaphore_mem>>)
      %dma_wait3A = arith.constant 0 : i32
      %dma_wait3A_72 = arith.constant 0 : i32
      %dma_wait3A_73 = tpu.memref_slice %arg2[%run_scoped3A_38, %add3A, %dma_wait3A, %dma_wait3A_72] : memref<2x32x100x100xi32, #tpu.memory_space<hbm>> -> memref<1x1x100x100xi32, #tpu.memory_space<hbm>>
      %dma_wait3A_74 = tpu.memref_squeeze %dma_wait3A_73 : memref<1x1x100x100xi32, #tpu.memory_space<hbm>> -> memref<100x100xi32, #tpu.memory_space<hbm>>
      %dma_wait3A_75 = arith.constant 0 : i32
      %dma_wait3A_76 = arith.constant 0 : i32
      %dma_wait3A_77 = tpu.memref_slice %arg2[%run_scoped3A_38, %add3A, %dma_wait3A_75, %dma_wait3A_76] : memref<2x32x100x100xi32, #tpu.memory_space<hbm>> -> memref<1x1x100x100xi32, #tpu.memory_space<hbm>>
      %dma_wait3A_78 = tpu.memref_squeeze %dma_wait3A_77 : memref<1x1x100x100xi32, #tpu.memory_space<hbm>> -> memref<100x100xi32, #tpu.memory_space<hbm>>
      tpu.wait_dma2 semaphore(%run_scoped3A_63 : memref<!tpu.dma_semaphore, #tpu.memory_space<semaphore_mem>>) src(%dma_wait3A_78 : memref<100x100xi32, #tpu.memory_space<hbm>>) dst(%arg6 : memref<100x100xi32, #tpu.memory_space<vmem>>)
      tpu.yield
    }) : () -> ()
    %barrier3A = arith.constant 0 : index
    tpu.barrier barrier_id(%barrier3A)
    %dma_start3A = arith.constant 0 : i32
    %dma_start3A_39 = arith.constant 0 : i32
    %dma_start3A_40 = tpu.memref_slice %arg5[%dma_start3A, %dma_start3A_39] : memref<100x100xi32, #tpu.memory_space<vmem>> -> memref<1x100xi32, #tpu.memory_space<vmem>>
    %dma_start3A_41 = tpu.memref_squeeze %dma_start3A_40 : memref<1x100xi32, #tpu.memory_space<vmem>> -> memref<100xi32, #tpu.memory_space<vmem>>
    %dma_start3A_42 = arith.constant 0 : i32
    %dma_start3A_43 = arith.constant 0 : i32
    %dma_start3A_44 = tpu.memref_slice %arg3[%dma_start3A_42, %dma_start3A_43] : memref<10000x128xbf16, #tpu.memory_space<hbm>> -> memref<10000x128xbf16, #tpu.memory_space<hbm>>
    tpu.enqueue_indirect_dma source(%dma_start3A_44 : memref<10000x128xbf16, #tpu.memory_space<hbm>>) target(%arg7 : memref<100x128xbf16, #tpu.memory_space<vmem>>) offsets(%dma_start3A_41 : memref<100xi32, #tpu.memory_space<vmem>>) semaphore(%arg10 : memref<!tpu.dma_semaphore, #tpu.memory_space<semaphore_mem>>)
    %dma_start3A_45 = arith.constant 1 : i32
    %dma_start3A_46 = arith.constant 0 : i32
    %dma_start3A_47 = tpu.memref_slice %arg5[%dma_start3A_45, %dma_start3A_46] : memref<100x100xi32, #tpu.memory_space<vmem>> -> memref<1x100xi32, #tpu.memory_space<vmem>>
    %dma_start3A_48 = tpu.memref_squeeze %dma_start3A_47 : memref<1x100xi32, #tpu.memory_space<vmem>> -> memref<100xi32, #tpu.memory_space<vmem>>
    %dma_start3A_49 = arith.constant 0 : i32
    %dma_start3A_50 = arith.constant 0 : i32
    %dma_start3A_51 = tpu.memref_slice %arg3[%dma_start3A_49, %dma_start3A_50] : memref<10000x128xbf16, #tpu.memory_space<hbm>> -> memref<10000x128xbf16, #tpu.memory_space<hbm>>
    tpu.enqueue_indirect_dma source(%dma_start3A_51 : memref<10000x128xbf16, #tpu.memory_space<hbm>>) target(%arg8 : memref<100x128xbf16, #tpu.memory_space<vmem>>) offsets(%dma_start3A_48 : memref<100xi32, #tpu.memory_space<vmem>>) semaphore(%arg11 : memref<!tpu.dma_semaphore, #tpu.memory_space<semaphore_mem>>)
    %scan3A_52 = arith.constant 0 : i32
    %scan3A_53 = arith.constant 0 : i32
    %scan3A_54 = arith.constant 50 : i32
    %scan3A_55 = arith.addi %scan3A_53, %scan3A_54 : i32
    %scan3A_56 = arith.constant 1 : i32
    scf.for %scan3A_63 = %scan3A_53 to %scan3A_55 step %scan3A_56  : i32 {
      %mul3A_64 = arith.constant 2 : i32
      %mul3A_65 = arith.muli %mul3A_64, %scan3A_63 : i32
      %mul3A_66 = arith.constant 2 : i32
      %mul3A_67 = arith.muli %mul3A_66, %scan3A_63 : i32
      %add3A_68 = arith.constant 1 : i32
      %add3A_69 = arith.addi %mul3A_67, %add3A_68 : i32
      %dma_wait3A = arith.constant 0 : i32
      %dma_wait3A_70 = tpu.memref_slice %arg5[%mul3A_65, %dma_wait3A] : memref<100x100xi32, #tpu.memory_space<vmem>> -> memref<1x100xi32, #tpu.memory_space<vmem>>
      %dma_wait3A_71 = tpu.memref_squeeze %dma_wait3A_70 : memref<1x100xi32, #tpu.memory_space<vmem>> -> memref<100xi32, #tpu.memory_space<vmem>>
      %dma_wait3A_72 = arith.constant 0 : i32
      %dma_wait3A_73 = arith.constant 0 : i32
      %dma_wait3A_74 = tpu.memref_slice %arg3[%dma_wait3A_72, %dma_wait3A_73] : memref<10000x128xbf16, #tpu.memory_space<hbm>> -> memref<10000x128xbf16, #tpu.memory_space<hbm>>
      tpu.wait_indirect_dma semaphore(%arg10 : memref<!tpu.dma_semaphore, #tpu.memory_space<semaphore_mem>>) src(%dma_wait3A_74 : memref<10000x128xbf16, #tpu.memory_space<hbm>>) dst(%arg7 : memref<100x128xbf16, #tpu.memory_space<vmem>>)
      %dma_start3A_75 = arith.constant 0 : i32
      %dma_start3A_76 = tpu.memref_slice %arg6[%mul3A_65, %dma_start3A_75] : memref<100x100xi32, #tpu.memory_space<vmem>> -> memref<1x100xi32, #tpu.memory_space<vmem>>
      %dma_start3A_77 = tpu.memref_squeeze %dma_start3A_76 : memref<1x100xi32, #tpu.memory_space<vmem>> -> memref<100xi32, #tpu.memory_space<vmem>>
      %dma_start3A_78 = arith.constant 0 : i32
      %dma_start3A_79 = arith.constant 0 : i32
      %dma_start3A_80 = tpu.memref_slice %arg9[%dma_start3A_78, %dma_start3A_79] : memref<10112x128xbf16, #tpu.memory_space<vmem_shared>> -> memref<10112x128xbf16, #tpu.memory_space<vmem_shared>>
      tpu.enqueue_indirect_dma source(%arg7 : memref<100x128xbf16, #tpu.memory_space<vmem>>) target(%dma_start3A_80 : memref<10112x128xbf16, #tpu.memory_space<vmem_shared>>) offsets(%dma_start3A_77 : memref<100xi32, #tpu.memory_space<vmem>>) semaphore(%arg12 : memref<!tpu.dma_semaphore, #tpu.memory_space<semaphore_mem>>) {add = true}
      %dma_wait3A_81 = arith.constant 0 : i32
      %dma_wait3A_82 = tpu.memref_slice %arg5[%add3A_69, %dma_wait3A_81] : memref<100x100xi32, #tpu.memory_space<vmem>> -> memref<1x100xi32, #tpu.memory_space<vmem>>
      %dma_wait3A_83 = tpu.memref_squeeze %dma_wait3A_82 : memref<1x100xi32, #tpu.memory_space<vmem>> -> memref<100xi32, #tpu.memory_space<vmem>>
      %dma_wait3A_84 = arith.constant 0 : i32
      %dma_wait3A_85 = arith.constant 0 : i32
      %dma_wait3A_86 = tpu.memref_slice %arg3[%dma_wait3A_84, %dma_wait3A_85] : memref<10000x128xbf16, #tpu.memory_space<hbm>> -> memref<10000x128xbf16, #tpu.memory_space<hbm>>
      tpu.wait_indirect_dma semaphore(%arg11 : memref<!tpu.dma_semaphore, #tpu.memory_space<semaphore_mem>>) src(%dma_wait3A_86 : memref<10000x128xbf16, #tpu.memory_space<hbm>>) dst(%arg8 : memref<100x128xbf16, #tpu.memory_space<vmem>>)
      %dma_start3A_87 = arith.constant 0 : i32
      %dma_start3A_88 = tpu.memref_slice %arg6[%add3A_69, %dma_start3A_87] : memref<100x100xi32, #tpu.memory_space<vmem>> -> memref<1x100xi32, #tpu.memory_space<vmem>>
      %dma_start3A_89 = tpu.memref_squeeze %dma_start3A_88 : memref<1x100xi32, #tpu.memory_space<vmem>> -> memref<100xi32, #tpu.memory_space<vmem>>
      %dma_start3A_90 = arith.constant 0 : i32
      %dma_start3A_91 = arith.constant 0 : i32
      %dma_start3A_92 = tpu.memref_slice %arg9[%dma_start3A_90, %dma_start3A_91] : memref<10112x128xbf16, #tpu.memory_space<vmem_shared>> -> memref<10112x128xbf16, #tpu.memory_space<vmem_shared>>
      tpu.enqueue_indirect_dma source(%arg8 : memref<100x128xbf16, #tpu.memory_space<vmem>>) target(%dma_start3A_92 : memref<10112x128xbf16, #tpu.memory_space<vmem_shared>>) offsets(%dma_start3A_89 : memref<100xi32, #tpu.memory_space<vmem>>) semaphore(%arg13 : memref<!tpu.dma_semaphore, #tpu.memory_space<semaphore_mem>>) {add = true}
      %dma_wait3A_93 = arith.constant 0 : i32
      %dma_wait3A_94 = tpu.memref_slice %arg6[%mul3A_65, %dma_wait3A_93] : memref<100x100xi32, #tpu.memory_space<vmem>> -> memref<1x100xi32, #tpu.memory_space<vmem>>
      %dma_wait3A_95 = tpu.memref_squeeze %dma_wait3A_94 : memref<1x100xi32, #tpu.memory_space<vmem>> -> memref<100xi32, #tpu.memory_space<vmem>>
      %dma_wait3A_96 = arith.constant 0 : i32
      %dma_wait3A_97 = arith.constant 0 : i32
      %dma_wait3A_98 = tpu.memref_slice %arg9[%dma_wait3A_96, %dma_wait3A_97] : memref<10112x128xbf16, #tpu.memory_space<vmem_shared>> -> memref<10112x128xbf16, #tpu.memory_space<vmem_shared>>
      tpu.wait_indirect_dma semaphore(%arg12 : memref<!tpu.dma_semaphore, #tpu.memory_space<semaphore_mem>>) src(%arg7 : memref<100x128xbf16, #tpu.memory_space<vmem>>) dst(%dma_wait3A_98 : memref<10112x128xbf16, #tpu.memory_space<vmem_shared>>)
      %add3A_99 = arith.constant 2 : i32
      %add3A_100 = arith.addi %mul3A_65, %add3A_99 : i32
      %lt3A = arith.constant 100 : i32
      %lt3A_101 = arith.cmpi slt, %add3A_100, %lt3A : i32
      %convert_element_type3A = arith.extui %lt3A_101 : i1 to i32
      %cond3A = arith.constant 0 : i32
      %cond3A_102 = arith.cmpi ne, %convert_element_type3A, %cond3A : i32
      scf.if %cond3A_102 {
        %add3A_116 = arith.constant 2 : i32
        %add3A_117 = arith.addi %mul3A_65, %add3A_116 : i32
        %dma_start3A_118 = arith.constant 0 : i32
        %dma_start3A_119 = tpu.memref_slice %arg5[%add3A_117, %dma_start3A_118] : memref<100x100xi32, #tpu.memory_space<vmem>> -> memref<1x100xi32, #tpu.memory_space<vmem>>
        %dma_start3A_120 = tpu.memref_squeeze %dma_start3A_119 : memref<1x100xi32, #tpu.memory_space<vmem>> -> memref<100xi32, #tpu.memory_space<vmem>>
        %dma_start3A_121 = arith.constant 0 : i32
        %dma_start3A_122 = arith.constant 0 : i32
        %dma_start3A_123 = tpu.memref_slice %arg3[%dma_start3A_121, %dma_start3A_122] : memref<10000x128xbf16, #tpu.memory_space<hbm>> -> memref<10000x128xbf16, #tpu.memory_space<hbm>>
        tpu.enqueue_indirect_dma source(%dma_start3A_123 : memref<10000x128xbf16, #tpu.memory_space<hbm>>) target(%arg7 : memref<100x128xbf16, #tpu.memory_space<vmem>>) offsets(%dma_start3A_120 : memref<100xi32, #tpu.memory_space<vmem>>) semaphore(%arg10 : memref<!tpu.dma_semaphore, #tpu.memory_space<semaphore_mem>>)
      } else {
      }
      %dma_wait3A_103 = arith.constant 0 : i32
      %dma_wait3A_104 = tpu.memref_slice %arg6[%add3A_69, %dma_wait3A_103] : memref<100x100xi32, #tpu.memory_space<vmem>> -> memref<1x100xi32, #tpu.memory_space<vmem>>
      %dma_wait3A_105 = tpu.memref_squeeze %dma_wait3A_104 : memref<1x100xi32, #tpu.memory_space<vmem>> -> memref<100xi32, #tpu.memory_space<vmem>>
      %dma_wait3A_106 = arith.constant 0 : i32
      %dma_wait3A_107 = arith.constant 0 : i32
      %dma_wait3A_108 = tpu.memref_slice %arg9[%dma_wait3A_106, %dma_wait3A_107] : memref<10112x128xbf16, #tpu.memory_space<vmem_shared>> -> memref<10112x128xbf16, #tpu.memory_space<vmem_shared>>
      tpu.wait_indirect_dma semaphore(%arg13 : memref<!tpu.dma_semaphore, #tpu.memory_space<semaphore_mem>>) src(%arg8 : memref<100x128xbf16, #tpu.memory_space<vmem>>) dst(%dma_wait3A_108 : memref<10112x128xbf16, #tpu.memory_space<vmem_shared>>)
      %add3A_109 = arith.constant 2 : i32
      %add3A_110 = arith.addi %add3A_69, %add3A_109 : i32
      %lt3A_111 = arith.constant 100 : i32
      %lt3A_112 = arith.cmpi slt, %add3A_110, %lt3A_111 : i32
      %convert_element_type3A_113 = arith.extui %lt3A_112 : i1 to i32
      %cond3A_114 = arith.constant 0 : i32
      %cond3A_115 = arith.cmpi ne, %convert_element_type3A_113, %cond3A_114 : i32
      scf.if %cond3A_115 {
        %add3A_116 = arith.constant 2 : i32
        %add3A_117 = arith.addi %add3A_69, %add3A_116 : i32
        %dma_start3A_118 = arith.constant 0 : i32
        %dma_start3A_119 = tpu.memref_slice %arg5[%add3A_117, %dma_start3A_118] : memref<100x100xi32, #tpu.memory_space<vmem>> -> memref<1x100xi32, #tpu.memory_space<vmem>>
        %dma_start3A_120 = tpu.memref_squeeze %dma_start3A_119 : memref<1x100xi32, #tpu.memory_space<vmem>> -> memref<100xi32, #tpu.memory_space<vmem>>
        %dma_start3A_121 = arith.constant 0 : i32
        %dma_start3A_122 = arith.constant 0 : i32
        %dma_start3A_123 = tpu.memref_slice %arg3[%dma_start3A_121, %dma_start3A_122] : memref<10000x128xbf16, #tpu.memory_space<hbm>> -> memref<10000x128xbf16, #tpu.memory_space<hbm>>
        tpu.enqueue_indirect_dma source(%dma_start3A_123 : memref<10000x128xbf16, #tpu.memory_space<hbm>>) target(%arg8 : memref<100x128xbf16, #tpu.memory_space<vmem>>) offsets(%dma_start3A_120 : memref<100xi32, #tpu.memory_space<vmem>>) semaphore(%arg11 : memref<!tpu.dma_semaphore, #tpu.memory_space<semaphore_mem>>)
      } else {
      }
    }
    %scan3A_57 = arith.constant 50 : i32
    %barrier3A_58 = arith.constant 0 : index
    tpu.barrier barrier_id(%barrier3A_58)
    %mul3A_59 = arith.constant 632 : i32
    %mul3A_60 = arith.muli %arg1, %mul3A_59 : i32
    %mul3A_61 = arith.constant 632 : i32
    %mul3A_62 = arith.muli %arg1, %mul3A_61 : i32
    "tpu.region"() ({
      %run_scoped3A_63 = tpu.sem_alloc : memref<!tpu.dma_semaphore, #tpu.memory_space<semaphore_mem>>
      %dma_start3A_64 = arith.constant 0 : i32
      %dma_start3A_65 = tpu.memref_slice %arg4[%arg0, %mul3A_62, %dma_start3A_64] : memref<2x10112x128xbf16, #tpu.memory_space<hbm>> -> memref<1x632x128xbf16, #tpu.memory_space<hbm>>
      %dma_start3A_66 = tpu.memref_squeeze %dma_start3A_65 : memref<1x632x128xbf16, #tpu.memory_space<hbm>> -> memref<632x128xbf16, #tpu.memory_space<hbm>>
      %dma_start3A_67 = arith.constant 0 : i32
      %dma_start3A_68 = tpu.memref_slice %arg9[%mul3A_60, %dma_start3A_67] : memref<10112x128xbf16, #tpu.memory_space<vmem_shared>> -> memref<632x128xbf16, #tpu.memory_space<vmem_shared>>
      tpu.enqueue_dma source(%dma_start3A_68 : memref<632x128xbf16, #tpu.memory_space<vmem_shared>>) target(%dma_start3A_66 : memref<632x128xbf16, #tpu.memory_space<hbm>>) target_semaphore(%run_scoped3A_63 : memref<!tpu.dma_semaphore, #tpu.memory_space<semaphore_mem>>)
      %dma_wait3A = arith.constant 0 : i32
      %dma_wait3A_69 = tpu.memref_slice %arg4[%arg0, %mul3A_62, %dma_wait3A] : memref<2x10112x128xbf16, #tpu.memory_space<hbm>> -> memref<1x632x128xbf16, #tpu.memory_space<hbm>>
      %dma_wait3A_70 = tpu.memref_squeeze %dma_wait3A_69 : memref<1x632x128xbf16, #tpu.memory_space<hbm>> -> memref<632x128xbf16, #tpu.memory_space<hbm>>
      %dma_wait3A_71 = arith.constant 0 : i32
      %dma_wait3A_72 = tpu.memref_slice %arg9[%mul3A_60, %dma_wait3A_71] : memref<10112x128xbf16, #tpu.memory_space<vmem_shared>> -> memref<632x128xbf16, #tpu.memory_space<vmem_shared>>
      tpu.wait_dma2 semaphore(%run_scoped3A_63 : memref<!tpu.dma_semaphore, #tpu.memory_space<semaphore_mem>>) src(%dma_wait3A_72 : memref<632x128xbf16, #tpu.memory_space<vmem_shared>>) dst(%dma_wait3A_70 : memref<632x128xbf16, #tpu.memory_space<hbm>>)
      tpu.yield
    }) : () -> ()
    return
  }
}

module attributes {stable_mosaic.version = 14 : i64} {
  func.func @body(%arg0: i32, %arg1: memref<32x10240xf32, #tpu.memory_space<vmem>>, %arg2: memref<512x128xf32, #tpu.memory_space<vmem>>, %arg3: memref<128x128xf32, #tpu.memory_space<vmem>>, %arg4: memref<512x128xf32, #tpu.memory_space<vmem>>, %arg5: memref<512x128xbf16, #tpu.memory_space<vmem>>) attributes {dimension_semantics = [#tpu.dimension_semantics<arbitrary>], iteration_bounds = array<i64: 20>, scalar_prefetch = 0 : i64, scratch_operands = 0 : i64, tpu.core_type = #tpu.core_type<tc>, window_params = [{pipeline_mode = #tpu.pipeline_mode<synchronous>, transform_indices = @transform_0, window_bounds = array<i64: 32, 10240>}, {transform_indices = @transform_1, window_bounds = array<i64: 512, 128>}, {pipeline_mode = #tpu.pipeline_mode<synchronous>, transform_indices = @transform_2, window_bounds = array<i64: 128, 128>}, {transform_indices = @transform_3, window_bounds = array<i64: 512, 128>}, {transform_indices = @transform_4, window_bounds = array<i64: 512, 128>}]} {
    %mul3A = arith.constant 512 : i32
    %mul3A_0 = arith.muli %arg0, %mul3A : i32
    %get3A = arith.constant 0 : index
    %get3A_1 = arith.index_cast %mul3A_0 : i32 to index
    %get3A_2 = vector.load %arg1[%get3A, %get3A_1] : memref<32x10240xf32, #tpu.memory_space<vmem>>, vector<32x512xf32>
    %reduce_sum3A = arith.constant dense<0.000000e+00> : vector<512xf32>
    %reduce_sum3A_3 = vector.multi_reduction <add>, %get3A_2, %reduce_sum3A [0] : vector<32x512xf32> to vector<512xf32>
    %broadcast_in_dim3A = vector.shape_cast %reduce_sum3A_3 : vector<512xf32> to vector<1x512xf32>
    %add3A = arith.constant 1.000000e+00 : f32
    %add3A_4 = vector.broadcast %add3A : f32 to vector<1x512xf32>
    %add3A_5 = arith.addf %broadcast_in_dim3A, %add3A_4 : vector<1x512xf32>
    %rsqrt3A = math.rsqrt %add3A_5 : vector<1x512xf32>
    %get3A_6 = arith.constant 0 : index
    %get3A_7 = arith.constant 0 : index
    %get3A_8 = vector.load %arg2[%get3A_6, %get3A_7] : memref<512x128xf32, #tpu.memory_space<vmem>>, vector<512x128xf32>
    %mul3A_9 = arith.constant 512 : i32
    %mul3A_10 = arith.muli %arg0, %mul3A_9 : i32
    %iota3A = tpu.iota {dimensions = array<i32: 0>} : vector<512x128xi32>
    %add3A_11 = vector.broadcast %mul3A_10 : i32 to vector<512x128xi32>
    %add3A_12 = arith.addi %add3A_11, %iota3A : vector<512x128xi32>
    %lt3A = arith.constant 10000 : i32
    %lt3A_13 = vector.broadcast %lt3A : i32 to vector<512x128xi32>
    %lt3A_14 = arith.cmpi slt, %add3A_12, %lt3A_13 : vector<512x128xi32>
    %jit3A = arith.constant 0.000000e+00 : f32
    %broadcast_in_dim3A_15 = vector.broadcast %jit3A : f32 to vector<512x128xf32>
    %select_n3A = arith.select %lt3A_14, %get3A_8, %broadcast_in_dim3A_15 : vector<512x128xi1>, vector<512x128xf32>
    %get3A_16 = arith.constant 0 : index
    %get3A_17 = arith.constant 0 : index
    %get3A_18 = vector.load %arg3[%get3A_16, %get3A_17] : memref<128x128xf32, #tpu.memory_space<vmem>>, vector<128x128xf32>
    %dot_general3A = arith.constant dense<0.000000e+00> : vector<512x128xf32>
    %dot_general3A_19 = tpu.matmul %select_n3A, %get3A_18, %dot_general3A {dimension_numbers = #tpu.dot_dimension_numbers<[1], [0], [0], [1], [0, 0, 1, 1], [], []>, transpose_lhs_hint = false} : vector<512x128xf32>, vector<128x128xf32>, vector<512x128xf32> -> vector<512x128xf32>
    %slice3A = vector.extract_strided_slice %rsqrt3A {offsets = [0, 0], sizes = [1, 128], strides = [1, 1]} : vector<1x512xf32> to vector<1x128xf32>
    %iota3A_20 = tpu.iota {dimensions = array<i32: 0>} : vector<128x128xi32>
    %iota3A_21 = tpu.iota {dimensions = array<i32: 1>} : vector<128x128xi32>
    %eq3A = arith.cmpi eq, %iota3A_20, %iota3A_21 : vector<128x128xi32>
    %broadcast_in_dim3A_22 = vector.shape_cast %slice3A : vector<1x128xf32> to vector<1x128xf32>
    %broadcast_in_dim3A_23 = vector.broadcast %broadcast_in_dim3A_22 : vector<1x128xf32> to vector<128x128xf32>
    %jit3A_24 = arith.constant 0.000000e+00 : f32
    %broadcast_in_dim3A_25 = vector.broadcast %jit3A_24 : f32 to vector<128x128xf32>
    %select_n3A_26 = arith.select %eq3A, %broadcast_in_dim3A_23, %broadcast_in_dim3A_25 : vector<128x128xi1>, vector<128x128xf32>
    %reduce_sum3A_27 = arith.constant dense<0.000000e+00> : vector<128xf32>
    %reduce_sum3A_28 = vector.multi_reduction <add>, %select_n3A_26, %reduce_sum3A_27 [1] : vector<128x128xf32> to vector<128xf32>
    %broadcast_in_dim3A_29 = vector.shape_cast %reduce_sum3A_28 : vector<128xf32> to vector<128x1xf32>
    %slice3A_30 = vector.extract_strided_slice %rsqrt3A {offsets = [0, 128], sizes = [1, 128], strides = [1, 1]} : vector<1x512xf32> to vector<1x128xf32>
    %iota3A_31 = tpu.iota {dimensions = array<i32: 0>} : vector<128x128xi32>
    %iota3A_32 = tpu.iota {dimensions = array<i32: 1>} : vector<128x128xi32>
    %eq3A_33 = arith.cmpi eq, %iota3A_31, %iota3A_32 : vector<128x128xi32>
    %broadcast_in_dim3A_34 = vector.shape_cast %slice3A_30 : vector<1x128xf32> to vector<1x128xf32>
    %broadcast_in_dim3A_35 = vector.broadcast %broadcast_in_dim3A_34 : vector<1x128xf32> to vector<128x128xf32>
    %jit3A_36 = arith.constant 0.000000e+00 : f32
    %broadcast_in_dim3A_37 = vector.broadcast %jit3A_36 : f32 to vector<128x128xf32>
    %select_n3A_38 = arith.select %eq3A_33, %broadcast_in_dim3A_35, %broadcast_in_dim3A_37 : vector<128x128xi1>, vector<128x128xf32>
    %reduce_sum3A_39 = arith.constant dense<0.000000e+00> : vector<128xf32>
    %reduce_sum3A_40 = vector.multi_reduction <add>, %select_n3A_38, %reduce_sum3A_39 [1] : vector<128x128xf32> to vector<128xf32>
    %broadcast_in_dim3A_41 = vector.shape_cast %reduce_sum3A_40 : vector<128xf32> to vector<128x1xf32>
    %slice3A_42 = vector.extract_strided_slice %rsqrt3A {offsets = [0, 256], sizes = [1, 128], strides = [1, 1]} : vector<1x512xf32> to vector<1x128xf32>
    %iota3A_43 = tpu.iota {dimensions = array<i32: 0>} : vector<128x128xi32>
    %iota3A_44 = tpu.iota {dimensions = array<i32: 1>} : vector<128x128xi32>
    %eq3A_45 = arith.cmpi eq, %iota3A_43, %iota3A_44 : vector<128x128xi32>
    %broadcast_in_dim3A_46 = vector.shape_cast %slice3A_42 : vector<1x128xf32> to vector<1x128xf32>
    %broadcast_in_dim3A_47 = vector.broadcast %broadcast_in_dim3A_46 : vector<1x128xf32> to vector<128x128xf32>
    %jit3A_48 = arith.constant 0.000000e+00 : f32
    %broadcast_in_dim3A_49 = vector.broadcast %jit3A_48 : f32 to vector<128x128xf32>
    %select_n3A_50 = arith.select %eq3A_45, %broadcast_in_dim3A_47, %broadcast_in_dim3A_49 : vector<128x128xi1>, vector<128x128xf32>
    %reduce_sum3A_51 = arith.constant dense<0.000000e+00> : vector<128xf32>
    %reduce_sum3A_52 = vector.multi_reduction <add>, %select_n3A_50, %reduce_sum3A_51 [1] : vector<128x128xf32> to vector<128xf32>
    %broadcast_in_dim3A_53 = vector.shape_cast %reduce_sum3A_52 : vector<128xf32> to vector<128x1xf32>
    %slice3A_54 = vector.extract_strided_slice %rsqrt3A {offsets = [0, 384], sizes = [1, 128], strides = [1, 1]} : vector<1x512xf32> to vector<1x128xf32>
    %iota3A_55 = tpu.iota {dimensions = array<i32: 0>} : vector<128x128xi32>
    %iota3A_56 = tpu.iota {dimensions = array<i32: 1>} : vector<128x128xi32>
    %eq3A_57 = arith.cmpi eq, %iota3A_55, %iota3A_56 : vector<128x128xi32>
    %broadcast_in_dim3A_58 = vector.shape_cast %slice3A_54 : vector<1x128xf32> to vector<1x128xf32>
    %broadcast_in_dim3A_59 = vector.broadcast %broadcast_in_dim3A_58 : vector<1x128xf32> to vector<128x128xf32>
    %jit3A_60 = arith.constant 0.000000e+00 : f32
    %broadcast_in_dim3A_61 = vector.broadcast %jit3A_60 : f32 to vector<128x128xf32>
    %select_n3A_62 = arith.select %eq3A_57, %broadcast_in_dim3A_59, %broadcast_in_dim3A_61 : vector<128x128xi1>, vector<128x128xf32>
    %reduce_sum3A_63 = arith.constant dense<0.000000e+00> : vector<128xf32>
    %reduce_sum3A_64 = vector.multi_reduction <add>, %select_n3A_62, %reduce_sum3A_63 [1] : vector<128x128xf32> to vector<128xf32>
    %broadcast_in_dim3A_65 = vector.shape_cast %reduce_sum3A_64 : vector<128xf32> to vector<128x1xf32>
    %concatenate3A = tpu.concatenate %broadcast_in_dim3A_29, %broadcast_in_dim3A_41, %broadcast_in_dim3A_53, %broadcast_in_dim3A_65 in 0 : vector<128x1xf32>, vector<128x1xf32>, vector<128x1xf32>, vector<128x1xf32> -> vector<512x1xf32>
    %mul3A_66 = vector.broadcast %concatenate3A : vector<512x1xf32> to vector<512x128xf32>
    %mul3A_67 = arith.mulf %dot_general3A_19, %mul3A_66 : vector<512x128xf32>
    %swap3A = arith.constant 0 : index
    %swap3A_68 = arith.constant 0 : index
    %swap3A_69 = vector.load %arg4[%swap3A, %swap3A_68] : memref<512x128xf32, #tpu.memory_space<vmem>>, vector<512x128xf32>
    tpu.vector_store %arg4[%swap3A, %swap3A_68], %mul3A_67 {strides = array<i32>} : memref<512x128xf32, #tpu.memory_space<vmem>>, vector<512x128xf32>,
    %convert_element_type3A = arith.truncf %mul3A_67 : vector<512x128xf32> to vector<512x128xbf16>
    %swap3A_70 = arith.constant 0 : index
    %swap3A_71 = arith.constant 0 : index
    %swap3A_72 = vector.load %arg5[%swap3A_70, %swap3A_71] : memref<512x128xbf16, #tpu.memory_space<vmem>>, vector<512x128xbf16>
    tpu.vector_store %arg5[%swap3A_70, %swap3A_71], %convert_element_type3A {strides = array<i32>} : memref<512x128xbf16, #tpu.memory_space<vmem>>, vector<512x128xbf16>,
    return
  }
  func.func @transform_0(%arg0: i32) -> (i32, i32) {
    %c0_i32 = arith.constant 0 : i32
    %c0_i32_0 = arith.constant 0 : i32
    %c0_i32_1 = arith.constant 0 : i32
    return %c0_i32, %c0_i32_0 : i32, i32
  }
  func.func @transform_1(%arg0: i32) -> (i32, i32) {
    %c0_i32 = arith.constant 0 : i32
    %c0_i32_0 = arith.constant 0 : i32
    return %arg0, %c0_i32 : i32, i32
  }
  func.func @transform_2(%arg0: i32) -> (i32, i32) {
    %c0_i32 = arith.constant 0 : i32
    %c0_i32_0 = arith.constant 0 : i32
    %c0_i32_1 = arith.constant 0 : i32
    return %c0_i32, %c0_i32_0 : i32, i32
  }
  func.func @transform_3(%arg0: i32) -> (i32, i32) {
    %c0_i32 = arith.constant 0 : i32
    %c0_i32_0 = arith.constant 0 : i32
    return %arg0, %c0_i32 : i32, i32
  }
  func.func @transform_4(%arg0: i32) -> (i32, i32) {
    %c0_i32 = arith.constant 0 : i32
    %c0_i32_0 = arith.constant 0 : i32
    return %arg0, %c0_i32 : i32, i32
  }
}

module attributes {stable_mosaic.version = 14 : i64} {
  func.func @body(%arg0: i32, %arg1: memref<2x512x128xbf16, #tpu.memory_space<vmem>>, %arg2: memref<512x128xf32, #tpu.memory_space<vmem>>, %arg3: memref<32x10240xf32, #tpu.memory_space<vmem>>, %arg4: memref<1x128xf32, #tpu.memory_space<vmem>>, %arg5: memref<1x1xf32, #tpu.memory_space<vmem>>, %arg6: memref<128x128xf32, #tpu.memory_space<vmem>>, %arg7: memref<1x128xf32, #tpu.memory_space<vmem>>, %arg8: memref<512x128xf32, #tpu.memory_space<vmem>>) attributes {dimension_semantics = [#tpu.dimension_semantics<arbitrary>], iteration_bounds = array<i64: 20>, scalar_prefetch = 0 : i64, scratch_operands = 0 : i64, tpu.core_type = #tpu.core_type<tc>, window_params = [{transform_indices = @transform_0, window_bounds = array<i64: 2, 512, 128>}, {transform_indices = @transform_1, window_bounds = array<i64: 512, 128>}, {pipeline_mode = #tpu.pipeline_mode<synchronous>, transform_indices = @transform_2, window_bounds = array<i64: 32, 10240>}, {pipeline_mode = #tpu.pipeline_mode<synchronous>, transform_indices = @transform_3, window_bounds = array<i64: 1, 128>}, {pipeline_mode = #tpu.pipeline_mode<synchronous>, transform_indices = @transform_4, window_bounds = array<i64: 1, 1>}, {pipeline_mode = #tpu.pipeline_mode<synchronous>, transform_indices = @transform_5, window_bounds = array<i64: 128, 128>}, {pipeline_mode = #tpu.pipeline_mode<synchronous>, transform_indices = @transform_6, window_bounds = array<i64: 1, 128>}, {transform_indices = @transform_7, window_bounds = array<i64: 512, 128>}]} {
    %mul3A = arith.constant 512 : i32
    %mul3A_0 = arith.muli %arg0, %mul3A : i32
    %get3A = arith.constant 0 : index
    %get3A_1 = arith.index_cast %mul3A_0 : i32 to index
    %get3A_2 = vector.load %arg3[%get3A, %get3A_1] : memref<32x10240xf32, #tpu.memory_space<vmem>>, vector<32x512xf32>
    %reduce_sum3A = arith.constant dense<0.000000e+00> : vector<512xf32>
    %reduce_sum3A_3 = vector.multi_reduction <add>, %get3A_2, %reduce_sum3A [0] : vector<32x512xf32> to vector<512xf32>
    %broadcast_in_dim3A = vector.shape_cast %reduce_sum3A_3 : vector<512xf32> to vector<1x512xf32>
    %add3A = arith.constant 1.000000e+00 : f32
    %add3A_4 = vector.broadcast %add3A : f32 to vector<1x512xf32>
    %add3A_5 = arith.addf %broadcast_in_dim3A, %add3A_4 : vector<1x512xf32>
    %rsqrt3A = math.rsqrt %add3A_5 : vector<1x512xf32>
    %get3A_6 = arith.constant 0 : index
    %get3A_7 = arith.constant 0 : index
    %get3A_8 = arith.constant 0 : index
    %get3A_9 = vector.load %arg1[%get3A_6, %get3A_7, %get3A_8] : memref<2x512x128xbf16, #tpu.memory_space<vmem>>, vector<1x512x128xbf16>
    %get3A_10 = vector.shape_cast %get3A_9 : vector<1x512x128xbf16> to vector<512x128xbf16>
    %convert_element_type3A = arith.extf %get3A_10 : vector<512x128xbf16> to vector<512x128xf32>
    %get3A_11 = arith.constant 1 : index
    %get3A_12 = arith.constant 0 : index
    %get3A_13 = arith.constant 0 : index
    %get3A_14 = vector.load %arg1[%get3A_11, %get3A_12, %get3A_13] : memref<2x512x128xbf16, #tpu.memory_space<vmem>>, vector<1x512x128xbf16>
    %get3A_15 = vector.shape_cast %get3A_14 : vector<1x512x128xbf16> to vector<512x128xbf16>
    %convert_element_type3A_16 = arith.extf %get3A_15 : vector<512x128xbf16> to vector<512x128xf32>
    %add3A_17 = arith.addf %convert_element_type3A, %convert_element_type3A_16 : vector<512x128xf32>
    %get3A_18 = arith.constant 0 : index
    %get3A_19 = arith.constant 0 : index
    %get3A_20 = vector.load %arg2[%get3A_18, %get3A_19] : memref<512x128xf32, #tpu.memory_space<vmem>>, vector<512x128xf32>
    %add3A_21 = arith.addf %add3A_17, %get3A_20 : vector<512x128xf32>
    %mul3A_22 = arith.constant 512 : i32
    %mul3A_23 = arith.muli %arg0, %mul3A_22 : i32
    %iota3A = tpu.iota {dimensions = array<i32: 0>} : vector<512x128xi32>
    %add3A_24 = vector.broadcast %mul3A_23 : i32 to vector<512x128xi32>
    %add3A_25 = arith.addi %add3A_24, %iota3A : vector<512x128xi32>
    %lt3A = arith.constant 10000 : i32
    %lt3A_26 = vector.broadcast %lt3A : i32 to vector<512x128xi32>
    %lt3A_27 = arith.cmpi slt, %add3A_25, %lt3A_26 : vector<512x128xi32>
    %jit3A = arith.constant 0.000000e+00 : f32
    %broadcast_in_dim3A_28 = vector.broadcast %jit3A : f32 to vector<512x128xf32>
    %select_n3A = arith.select %lt3A_27, %add3A_21, %broadcast_in_dim3A_28 : vector<512x128xi1>, vector<512x128xf32>
    %slice3A = vector.extract_strided_slice %rsqrt3A {offsets = [0, 0], sizes = [1, 128], strides = [1, 1]} : vector<1x512xf32> to vector<1x128xf32>
    %iota3A_29 = tpu.iota {dimensions = array<i32: 0>} : vector<128x128xi32>
    %iota3A_30 = tpu.iota {dimensions = array<i32: 1>} : vector<128x128xi32>
    %eq3A = arith.cmpi eq, %iota3A_29, %iota3A_30 : vector<128x128xi32>
    %broadcast_in_dim3A_31 = vector.shape_cast %slice3A : vector<1x128xf32> to vector<1x128xf32>
    %broadcast_in_dim3A_32 = vector.broadcast %broadcast_in_dim3A_31 : vector<1x128xf32> to vector<128x128xf32>
    %jit3A_33 = arith.constant 0.000000e+00 : f32
    %broadcast_in_dim3A_34 = vector.broadcast %jit3A_33 : f32 to vector<128x128xf32>
    %select_n3A_35 = arith.select %eq3A, %broadcast_in_dim3A_32, %broadcast_in_dim3A_34 : vector<128x128xi1>, vector<128x128xf32>
    %reduce_sum3A_36 = arith.constant dense<0.000000e+00> : vector<128xf32>
    %reduce_sum3A_37 = vector.multi_reduction <add>, %select_n3A_35, %reduce_sum3A_36 [1] : vector<128x128xf32> to vector<128xf32>
    %broadcast_in_dim3A_38 = vector.shape_cast %reduce_sum3A_37 : vector<128xf32> to vector<128x1xf32>
    %slice3A_39 = vector.extract_strided_slice %rsqrt3A {offsets = [0, 128], sizes = [1, 128], strides = [1, 1]} : vector<1x512xf32> to vector<1x128xf32>
    %iota3A_40 = tpu.iota {dimensions = array<i32: 0>} : vector<128x128xi32>
    %iota3A_41 = tpu.iota {dimensions = array<i32: 1>} : vector<128x128xi32>
    %eq3A_42 = arith.cmpi eq, %iota3A_40, %iota3A_41 : vector<128x128xi32>
    %broadcast_in_dim3A_43 = vector.shape_cast %slice3A_39 : vector<1x128xf32> to vector<1x128xf32>
    %broadcast_in_dim3A_44 = vector.broadcast %broadcast_in_dim3A_43 : vector<1x128xf32> to vector<128x128xf32>
    %jit3A_45 = arith.constant 0.000000e+00 : f32
    %broadcast_in_dim3A_46 = vector.broadcast %jit3A_45 : f32 to vector<128x128xf32>
    %select_n3A_47 = arith.select %eq3A_42, %broadcast_in_dim3A_44, %broadcast_in_dim3A_46 : vector<128x128xi1>, vector<128x128xf32>
    %reduce_sum3A_48 = arith.constant dense<0.000000e+00> : vector<128xf32>
    %reduce_sum3A_49 = vector.multi_reduction <add>, %select_n3A_47, %reduce_sum3A_48 [1] : vector<128x128xf32> to vector<128xf32>
    %broadcast_in_dim3A_50 = vector.shape_cast %reduce_sum3A_49 : vector<128xf32> to vector<128x1xf32>
    %slice3A_51 = vector.extract_strided_slice %rsqrt3A {offsets = [0, 256], sizes = [1, 128], strides = [1, 1]} : vector<1x512xf32> to vector<1x128xf32>
    %iota3A_52 = tpu.iota {dimensions = array<i32: 0>} : vector<128x128xi32>
    %iota3A_53 = tpu.iota {dimensions = array<i32: 1>} : vector<128x128xi32>
    %eq3A_54 = arith.cmpi eq, %iota3A_52, %iota3A_53 : vector<128x128xi32>
    %broadcast_in_dim3A_55 = vector.shape_cast %slice3A_51 : vector<1x128xf32> to vector<1x128xf32>
    %broadcast_in_dim3A_56 = vector.broadcast %broadcast_in_dim3A_55 : vector<1x128xf32> to vector<128x128xf32>
    %jit3A_57 = arith.constant 0.000000e+00 : f32
    %broadcast_in_dim3A_58 = vector.broadcast %jit3A_57 : f32 to vector<128x128xf32>
    %select_n3A_59 = arith.select %eq3A_54, %broadcast_in_dim3A_56, %broadcast_in_dim3A_58 : vector<128x128xi1>, vector<128x128xf32>
    %reduce_sum3A_60 = arith.constant dense<0.000000e+00> : vector<128xf32>
    %reduce_sum3A_61 = vector.multi_reduction <add>, %select_n3A_59, %reduce_sum3A_60 [1] : vector<128x128xf32> to vector<128xf32>
    %broadcast_in_dim3A_62 = vector.shape_cast %reduce_sum3A_61 : vector<128xf32> to vector<128x1xf32>
    %slice3A_63 = vector.extract_strided_slice %rsqrt3A {offsets = [0, 384], sizes = [1, 128], strides = [1, 1]} : vector<1x512xf32> to vector<1x128xf32>
    %iota3A_64 = tpu.iota {dimensions = array<i32: 0>} : vector<128x128xi32>
    %iota3A_65 = tpu.iota {dimensions = array<i32: 1>} : vector<128x128xi32>
    %eq3A_66 = arith.cmpi eq, %iota3A_64, %iota3A_65 : vector<128x128xi32>
    %broadcast_in_dim3A_67 = vector.shape_cast %slice3A_63 : vector<1x128xf32> to vector<1x128xf32>
    %broadcast_in_dim3A_68 = vector.broadcast %broadcast_in_dim3A_67 : vector<1x128xf32> to vector<128x128xf32>
    %jit3A_69 = arith.constant 0.000000e+00 : f32
    %broadcast_in_dim3A_70 = vector.broadcast %jit3A_69 : f32 to vector<128x128xf32>
    %select_n3A_71 = arith.select %eq3A_66, %broadcast_in_dim3A_68, %broadcast_in_dim3A_70 : vector<128x128xi1>, vector<128x128xf32>
    %reduce_sum3A_72 = arith.constant dense<0.000000e+00> : vector<128xf32>
    %reduce_sum3A_73 = vector.multi_reduction <add>, %select_n3A_71, %reduce_sum3A_72 [1] : vector<128x128xf32> to vector<128xf32>
    %broadcast_in_dim3A_74 = vector.shape_cast %reduce_sum3A_73 : vector<128xf32> to vector<128x1xf32>
    %concatenate3A = tpu.concatenate %broadcast_in_dim3A_38, %broadcast_in_dim3A_50, %broadcast_in_dim3A_62, %broadcast_in_dim3A_74 in 0 : vector<128x1xf32>, vector<128x1xf32>, vector<128x1xf32>, vector<128x1xf32> -> vector<512x1xf32>
    %mul3A_75 = vector.broadcast %concatenate3A : vector<512x1xf32> to vector<512x128xf32>
    %mul3A_76 = arith.mulf %select_n3A, %mul3A_75 : vector<512x128xf32>
    %get3A_77 = arith.constant 0 : index
    %get3A_78 = arith.constant 0 : index
    %get3A_79 = vector.load %arg4[%get3A_77, %get3A_78] : memref<1x128xf32, #tpu.memory_space<vmem>>, vector<1x128xf32>
    %add3A_80 = vector.broadcast %get3A_79 : vector<1x128xf32> to vector<512x128xf32>
    %add3A_81 = arith.addf %mul3A_76, %add3A_80 : vector<512x128xf32>
    %get3A_82 = arith.constant 0 : index
    %get3A_83 = arith.constant 0 : index
    %get3A_84 = vector.load %arg5[%get3A_82, %get3A_83] : memref<1x1xf32, #tpu.memory_space<vmem>>, vector<1x1xf32>
    %get3A_85 = vector.extract %get3A_84[0, 0] : f32 from vector<1x1xf32>
    %gt3A = arith.constant 0.000000e+00 : f32
    %gt3A_86 = vector.broadcast %gt3A : f32 to vector<512x128xf32>
    %gt3A_87 = arith.cmpf ogt, %add3A_81, %gt3A_86 : vector<512x128xf32>
    %mul3A_88 = vector.broadcast %get3A_85 : f32 to vector<512x128xf32>
    %mul3A_89 = arith.mulf %mul3A_88, %add3A_81 : vector<512x128xf32>
    %select_n3A_90 = arith.select %gt3A_87, %add3A_81, %mul3A_89 : vector<512x128xi1>, vector<512x128xf32>
    %get3A_91 = arith.constant 0 : index
    %get3A_92 = arith.constant 0 : index
    %get3A_93 = vector.load %arg6[%get3A_91, %get3A_92] : memref<128x128xf32, #tpu.memory_space<vmem>>, vector<128x128xf32>
    %dot_general3A = arith.constant dense<0.000000e+00> : vector<512x128xf32>
    %dot_general3A_94 = tpu.matmul %select_n3A_90, %get3A_93, %dot_general3A {dimension_numbers = #tpu.dot_dimension_numbers<[1], [0], [0], [1], [0, 0, 1, 1], [], []>, transpose_lhs_hint = false} : vector<512x128xf32>, vector<128x128xf32>, vector<512x128xf32> -> vector<512x128xf32>
    %get3A_95 = arith.constant 0 : index
    %get3A_96 = arith.constant 0 : index
    %get3A_97 = vector.load %arg7[%get3A_95, %get3A_96] : memref<1x128xf32, #tpu.memory_space<vmem>>, vector<1x128xf32>
    %add3A_98 = vector.broadcast %get3A_97 : vector<1x128xf32> to vector<512x128xf32>
    %add3A_99 = arith.addf %dot_general3A_94, %add3A_98 : vector<512x128xf32>
    %swap3A = arith.constant 0 : index
    %swap3A_100 = arith.constant 0 : index
    %swap3A_101 = vector.load %arg8[%swap3A, %swap3A_100] : memref<512x128xf32, #tpu.memory_space<vmem>>, vector<512x128xf32>
    tpu.vector_store %arg8[%swap3A, %swap3A_100], %add3A_99 {strides = array<i32>} : memref<512x128xf32, #tpu.memory_space<vmem>>, vector<512x128xf32>,
    return
  }
  func.func @transform_0(%arg0: i32) -> (i32, i32, i32) {
    %c0_i32 = arith.constant 0 : i32
    %c0_i32_0 = arith.constant 0 : i32
    %c0_i32_1 = arith.constant 0 : i32
    return %c0_i32, %arg0, %c0_i32_0 : i32, i32, i32
  }
  func.func @transform_1(%arg0: i32) -> (i32, i32) {
    %c0_i32 = arith.constant 0 : i32
    %c0_i32_0 = arith.constant 0 : i32
    return %arg0, %c0_i32 : i32, i32
  }
  func.func @transform_2(%arg0: i32) -> (i32, i32) {
    %c0_i32 = arith.constant 0 : i32
    %c0_i32_0 = arith.constant 0 : i32
    %c0_i32_1 = arith.constant 0 : i32
    return %c0_i32, %c0_i32_0 : i32, i32
  }
  func.func @transform_3(%arg0: i32) -> (i32, i32) {
    %c0_i32 = arith.constant 0 : i32
    %c0_i32_0 = arith.constant 0 : i32
    %c0_i32_1 = arith.constant 0 : i32
    return %c0_i32, %c0_i32_0 : i32, i32
  }
  func.func @transform_4(%arg0: i32) -> (i32, i32) {
    %c0_i32 = arith.constant 0 : i32
    %c0_i32_0 = arith.constant 0 : i32
    %c0_i32_1 = arith.constant 0 : i32
    return %c0_i32, %c0_i32_0 : i32, i32
  }
  func.func @transform_5(%arg0: i32) -> (i32, i32) {
    %c0_i32 = arith.constant 0 : i32
    %c0_i32_0 = arith.constant 0 : i32
    %c0_i32_1 = arith.constant 0 : i32
    return %c0_i32, %c0_i32_0 : i32, i32
  }
  func.func @transform_6(%arg0: i32) -> (i32, i32) {
    %c0_i32 = arith.constant 0 : i32
    %c0_i32_0 = arith.constant 0 : i32
    %c0_i32_1 = arith.constant 0 : i32
    return %c0_i32, %c0_i32_0 : i32, i32
  }
  func.func @transform_7(%arg0: i32) -> (i32, i32) {
    %c0_i32 = arith.constant 0 : i32
    %c0_i32_0 = arith.constant 0 : i32
    return %arg0, %c0_i32 : i32, i32
  }
}

</mosaic_0001>

<sc_bundles>
// kernel: kernel.6.cloned.1.call-start
scs
__scs_entry_jumppad:
0x0: {  	(pc) =	sbr.rel $0x88, $3  }
0x1: {  	(tag) =	ssettag $0x0;
	lr =	simm.s32 $0x1  }
0x2: {  	[smem:$0x3F9A] =	sst lr;
	_ =	strace $0xD0000000  }
0x3: {  	_ = 	snop  }
0x4: {  	_ = 	snop  }
0x5: {  	_ = 	snop  }
0x6: {  	_ = 	snop  }
0x7: {  	_ = 	snop  }
__scs_overlays_trampoline_lowered:
0x8: {  	[smem:$0x3FA9] =	sst s0  }
0x9: {  	[smem:$0x3FAA] =	sst s1  }
0xa: {  	[smem:$0x3FAB] =	sst s2  }
0xb: {  	[smem:$0x3FAC] =	sst s3  }
0xc: {  	[smem:$0x3FAD] =	sst s4  }
0xd: {  	[smem:$0x3FAE] =	sst s5  }
0xe: {  	[smem:$0x3FAF] =	sst s6  }
0xf: {  	[smem:$0x3FB0] =	sst s7  }
0x10: {  	[smem:$0x3FB1] =	sst s8  }
0x11: {  	[smem:$0x3FB2] =	sst s9;
	s0 =	simm.s32 @!p0 $0x0  }
0x12: {  	s1 =	sld [smem:$0x3F98];
	s0 =	simm.s32 @p0 $0x1  }
0x13: {  	[smem:$0x3FB3] =	sst s0;
	s0 =	simm.s32 @!p1 $0x0  }
0x14: {  	s2 =	sld [smem:$0x3F97];
	s0 =	simm.s32 @p1 $0x1  }
0x15: {  	[smem:$0x3FB4] =	sst s0;
	s0 =	simm.s32 @!p2 $0x0  }
0x16: {  	s3 =	sld [smem:$0x3FDB];
	s0 =	simm.s32 @p2 $0x1  }
0x17: {  	s4 =	simm.s32 $0x1BF5;
	[smem:$0x3FB6] =	sst s0  }
0x18: {  	s0 =	sld [smem:$0x3F99];
	_ =	swait.ge [sflag:s4], $0x0  }
0x19: {  	s7 =	sld [smem:$0x3F9A]  }
0x1a: {  	s8 =	sadd.s32 $0xFFFFE003, lr  }
0x1b: {  	s9 =	sadd.s32 $0xFFFFFEF7, lr;
	s5 =	simm.s32 $0xFFFFFFFF;
	p2 =	slt.u32 s8, $0xFFFFF086  }
0x1c: {  	p1 =	slt.u32 s9, $0xF7A;
	s5 =	simm.s32 @!p2 $0x0  }
0x1d: {  	s5 =	simm.s32 @p1 $0x1;
	p0 =	seq.s32 s7, s2  }
0x1e: {  	s7 =	smul.u32 @!p0 $0xF7A, s2;
	p2 =	seq.s32 @!p0 s5, $0x0  }
0x1f: {  	s9 =	smul.u32 $0xF7A, s1;
	s8 =	simm.s32 @!p0 $0x1BF5;
	p2 =	por !p2, p0  }
0x20: {  	[sflag:s8] =	ssyncset.s32 @!p0 $0xFFFFF086;
	s6 =	sadd.s32 @!p0 s3, s7;
	s7 =	simm.s32 @!p0 $0x108  }
0x21: {  	s3 =	sadd.s32 s3, s9;
	s6 =	sadd.s32 @!p0 $0x88, s6;
	s7 =	simm.s32 @p2 $0x1082  }
0x22: {  	[simem:s7], [sflag:s8] =	dma.local @!p0 [hbm:s6], $0xF7A  }
0x23: {  	s9 =	sor.u32 $0xD0000000, s2;
	s6 =	simm.s32 $0x108;
	_ =	swait.ge @!p0 [sflag:s8], $0x0  }
0x24: {  	s3 =	sadd.s32 $0x88, s3;
	s6 =	simm.s32 @!p1 $0x1082;
	[sflag:s4] =	ssyncset.s32 $0xFFFFF086  }
0x25: {  	[simem:s6], [sflag:s4] =	dma.local [hbm:s3], $0xF7A  }
0x26: {  	[smem:$0x3F9A] =	sst s1;
	(tag) =	ssettag s2;
	_ =	strace s9  }
0x27: {  	s1 =	sld [smem:$0x3FAA]  }
0x28: {  	s2 =	sld [smem:$0x3FAB]  }
0x29: {  	s4 =	sld [smem:$0x3FAD]  }
0x2a: {  	p0 =	seq.s32 s5, $0x0;
	s5 =	sld [smem:$0x3FAE]  }
0x2b: {  	s6 =	sld [smem:$0x3FAF]  }
0x2c: {  	s7 =	sld [smem:$0x3FB0]  }
0x2d: {  	s3 =	simm.s32 $0x108;
	s8 =	sld [smem:$0x3FB1]  }
0x2e: {  	s3 =	simm.s32 @!p0 $0x1082;
	s9 =	sld [smem:$0x3FB2]  }
0x2f: {  	lr =	sadd.s32 s0, s3;
	s0 =	sld [smem:$0x3FA9]  }
0x30: {  	s3 =	sld [smem:$0x3FAC]  }
0x31: {  	[smem:$0x3FB5] =	sst s10  }
0x32: {  	s10 =	sld [smem:$0x3FB3];
	_ =	sdelay $0x3  }
0x33: {  	p0 =	seq.s32 s10, $0x1;
	s10 =	sld [smem:$0x3FB5];
	_ =	sdelay $0x3  }
0x34: {  	[smem:$0x3FB5] =	sst s10  }
0x35: {  	s10 =	sld [smem:$0x3FB4];
	_ =	sdelay $0x3  }
0x36: {  	p1 =	seq.s32 s10, $0x1;
	s10 =	sld [smem:$0x3FB5];
	_ =	sdelay $0x3  }
0x37: {  	[smem:$0x3FB5] =	sst s10  }
0x38: {  	s10 =	sld [smem:$0x3FB6]  }
0x39: {  	_ = 	snop;
	(pc) =	sbr.ind lr, $3  }
0x3a: {  	_ = 	snop  }
0x3b: {  	_ = 	snop  }
0x3c: {  	p2 =	seq.s32 s10, $0x1;
	s10 =	sld [smem:$0x3FB5]  }
0x3d: {  	_ =	shalt  }
0x3e: {  	_ =	shalt  }
0x3f: {  	_ =	shalt  }
0x40: {  	_ =	shalt  }
0x41: {  	_ =	shalt  }
0x42: {  	_ =	shalt  }
0x43: {  	_ =	shalt  }
0x44: {  	_ =	shalt  }
0x45: {  	_ =	shalt  }
0x46: {  	_ =	shalt  }
0x47: {  	_ =	shalt  }
0x48: {  	_ =	shalt  }
0x49: {  	_ =	shalt  }
0x4a: {  	_ =	shalt  }
0x4b: {  	_ =	shalt  }
0x4c: {  	_ =	shalt  }
0x4d: {  	_ =	shalt  }
0x4e: {  	_ =	shalt  }
0x4f: {  	_ =	shalt  }
0x50: {  	_ =	shalt  }
0x51: {  	_ =	shalt  }
0x52: {  	_ =	shalt  }
0x53: {  	_ =	shalt  }
0x54: {  	_ =	shalt  }
0x55: {  	_ =	shalt  }
0x56: {  	_ =	shalt  }
0x57: {  	_ =	shalt  }
0x58: {  	_ =	shalt  }
0x59: {  	_ =	shalt  }
0x5a: {  	_ =	shalt  }
0x5b: {  	_ =	shalt  }
0x5c: {  	_ =	shalt  }
0x5d: {  	_ =	shalt  }
0x5e: {  	_ =	shalt  }
0x5f: {  	_ =	shalt  }
0x60: {  	_ =	shalt  }
0x61: {  	_ =	shalt  }
0x62: {  	_ =	shalt  }
0x63: {  	_ =	shalt  }
0x64: {  	_ =	shalt  }
0x65: {  	_ =	shalt  }
0x66: {  	_ =	shalt  }
0x67: {  	_ =	shalt  }
0x68: {  	_ =	shalt  }
0x69: {  	_ =	shalt  }
0x6a: {  	_ =	shalt  }
0x6b: {  	_ =	shalt  }
0x6c: {  	_ =	shalt  }
0x6d: {  	_ =	shalt  }
0x6e: {  	_ =	shalt  }
0x6f: {  	_ =	shalt  }
0x70: {  	_ =	shalt  }
0x71: {  	_ =	shalt  }
0x72: {  	_ =	shalt  }
0x73: {  	_ =	shalt  }
0x74: {  	_ =	shalt  }
0x75: {  	_ =	shalt  }
0x76: {  	_ =	shalt  }
0x77: {  	_ =	shalt  }
0x78: {  	_ =	shalt  }
0x79: {  	_ =	shalt  }
0x7a: {  	_ =	shalt  }
0x7b: {  	_ =	shalt  }
0x7c: {  	_ =	shalt  }
0x7d: {  	_ =	shalt  }
0x7e: {  	_ =	shalt  }
0x7f: {  	_ =	shalt  }
0x80: {  	_ =	shalt  }
0x81: {  	_ =	shalt  }
0x82: {  	_ =	shalt  }
0x83: {  	_ =	shalt  }
0x84: {  	_ =	shalt  }
0x85: {  	_ =	shalt  }
0x86: {  	_ =	shalt  }
0x87: {  	_ =	shalt  }
.Lfunc_end0:
.L_simem_size_0:
called_computation_lowered:
.L_overlay_start_0:
0x88: {  	s2 =	sld [smem:$0x3FD9]  }
0x89: {  	s3 =	sld [smem:$0x3FFE];
	_ =	sdelay $0x1  }
0x8a: {  	s1 =	srdreg.scid  }
0x8b: {  	s0 =	sand.u32 $0x1, s1  }
0x8c: {  	s16 =	sshll.u32 s0, $0xA;
	s2 =	sadd.s32 s3, s2  }
0x8d: {  	s2 =	sadd.s32 s2, s16  }
0x8e: {  	[smem:$0x3FC1] =	sst s2  }
0x8f: {  	_ = 	snop  }
0x90: {  	(tm) =	ssettm $0x1  }
0x91: {  	s17 =	sld [smem:$0x3FFB];
	_ =	sdelay $0x3  }
0x92: {  	_ =	strace s17  }
0x93: {  	s2 =	sld [smem:$0x3FFC];
	_ =	sdelay $0x3  }
0x94: {  	_ =	strace s2  }
0x95: {  	s2 =	sld [smem:$0x3FFD];
	_ =	sdelay $0x3  }
0x96: {  	_ =	strace s2  }
0x97: {  	_ =	strace $0x8FFFFFFF  }
0x98: {  	s18 =	sld [smem:$0x3FDB];
	_ =	sdelay $0x1  }
0x99: {  	s19 =	simm.s32 $_scs_section_size  }
0x9a: {  	s4 =	simm.s32 $_size__tile_overlayer_lowered;
	s5 =	simm.s32 $_tile_overlayer_lowered  }
0x9b: {  	s22 =	simm.s32 $0x1BFF;
	s21 =	sshll.u32 s5, $0x1;
	s2 =	sadd.s32 s19, s18  }
0x9c: {  	s6 =	simm.s32 $0x0;
	s20 =	sshll.u32 s4, $0x1;
	s4 =	sadd.s32 s21, s2  }
0x9d: {  	[timem:s6], [sflag:s22] =	dma.local [hbm:s4], s20  }
0x9e: {  	_ =	swait.ge [sflag:s22], s20  }
0x9f: {  	s3 =	ssub.s32 $0x0, s20;
	[sflag:s22] =	ssyncset.done $0x0  }
0xa0: {  	[sflag:s22] =	ssyncadd.s32 s3;
	_ =	sdelay $0x1  }
0xa1: {  	s23 =	simm.s32 $0x1B8B  }
0xa2: {  	_ =	swait.ge [sflag:s23], $0x1  }
0xa3: {  	[sflag:s23] =	ssyncset.done $0x0  }
0xa4: {  	s25 =	simm.s32 $0x1B8E;
	s24 =	sld [smem:$0x3FFE];
	[sflag:s23] =	ssyncadd.s32 $0xFFFFFFFF  }
0xa5: {  	s26 =	simm.s32 $execute0_lowered;
	[smem:$0x3FD2] =	sst s25  }
0xa6: {  	s4 =	sshll.u32 s26, $0x1;
	_ =	strace $0x80000046;
	[dreg:$0x1] =	wrdreg $0xFFFFFFFF  }
0xa7: {  	s28 =	simm.s32 $_size_execute0_lowered;
	s2 =	sadd.s32 s2, s4;
	[dreg:$0x0] =	wrdreg $0x0  }
0xa8: {  	s4 =	sshll.u32 s28, $0x1;
	[dreg:$0x2] =	wrdreg s2  }
0xa9: {  	[dreg:$0x3] =	wrdreg s4  }
0xaa: {  	[dreg:$0x4] =	wrdreg $0xC0  }
0xab: {  	_ =	task [dreg:s6], $0x5FFFF  }
0xac: {  	[dreg:$0x1] =	wrdreg $0xFFFFFFFF  }
0xad: {  	[dreg:$0x0] =	wrdreg $0x60  }
0xae: {  	[dreg:$0x2] =	wrdreg s24  }
0xaf: {  	[dreg:$0x3] =	wrdreg $0x9  }
0xb0: {  	_ =	task.clear_ibuf [dreg:s6], $0x4FFFF;
	_ =	strace $0x90000046  }
0xb1: {  	s29 =	simm.s32 $0x9;
	_ =	strace $0x80000048  }
0xb2: {  	_ =	swait.ge [sflag:s29], $0x1  }
0xb3: {  	[sflag:s29] =	ssyncadd.s32 $0xFFFFFFFF  }
0xb4: {  	_ =	strace $0x90000048  }
0xb5: {  	_ =	sfence  }
0xb6: {  	s30 =	sld [smem:$0x0];
	_ =	sdelay $0x2  }
0xb7: {  	s31 =	sshll.u32 s1, $0xD;
	s1 =	sshrl.u32 s1, $0x2  }
0xb8: {  	s3 =	sand.u32 $0x4000, s31;
	s1 =	sadd.s32 s1, s30  }
0xb9: {  	s0 =	sor.u32 s3, s0;
	s1 =	sshll.u32 s1, $0x11  }
0xba: {  	s0 =	sor.u32 s1, s0  }
0xbb: {  	s0 =	sadd.s32 $0x8F2B, s0  }
0xbc: {  	[sflag:s0] =	ssyncadd.remote.s32 $0x1  }
0xbd: {  	_ =	sfence.sel $0xFFFF  }
0xbe: {  	[dreg:$0x0] =	wrdreg $0xFFFFFFFF;
	(pc) =	sbr.abs _section_cstart, $3  }
0xbf: {  	[dreg:$0x1] =	wrdreg $0xFFFFFFFF  }
0xc0: {  	_ =	task.clear_ibuf [dreg:s6], $0x2FFFF;
	_ =	strace $0x9FFFFFFF  }
0xc1: {  	(tm) =	ssettm $0x7FFFFFFF  }
tec
execute0_lowered:
.L_overlay_start_1:
0x0: {  	(tag) =	ssettag $0x1  }
0x1: {  	s0 =	srdreg.scid  }
0x2: {  	s3 =	sand.u32 $0x1, s0  }
0x3: {  	s0 =	stileid.u32;
	s1 =	sshll.u32 s3, $0x4  }
0x4: {  	s4 =	rddreg [dreg:$0x0];
	s5 =	sor.u32 s0, s1  }
0x5: {  	s2 =	simm.s32 $0x0;
	s8 =	simm.s32 $0x0;
	s6 =	smul.u32 $0x2710, s5  }
0x6: {  	[smem:$0x7FF] =	sst s2;
	s3 =	ssub.s32 $0x2, s3;
	s5 =	smul.u32 $0x500, s5  }
0x7: {  	s1 =	rddreg [dreg:$0x1];
	_ =	strace $0x80000047;
	s7 =	sshrl.u32 s3, $0x1  }
0x8: {  	s7 =	ssub.s32 s3, s7;
	s6 =	sshrl.u32 s6, $0x3;
	s5 =	sadd.s32 s5, s4  }
0x9: {  	s31 =	sadd.s32 s4, s6;
	s4 =	sadd.s32 $0x15600, s5;
	s5 =	smax.u32 s7, $0x1  }
0xa: {  	v0 =	vimm.f32 $0.0e+00;
	v1 =	vimm.f32 $1.000000000e+00;
	s6 =	simm.s32 $0x1;
	s7 =	simm.s32 $0x2710;
	s3 =	sadd.s32 $0xB840, s31  }
.LBB2_1:
0xb: {  	s9 =	simm.s32 $0x40;
	s10 =	simm.s32 $0x0  }
.LBB2_2:
0xc: {  	p0 =	sne.s32 s9, $0x9FC0;
	[tilespmem:s10+$0x2710] =	vst v0;
	s10 =	smov.u32 s9;
	s9 =	sadd.s32 $0x40, s9  }
.Ltmp0:
0xd: {  	(pc) =	sbr.rel @p0 .LBB2_2-.Ltmp0, $2  }
0xe: {  	_ =	sdelay $0x2  }
0xf: {  	s10 =	sshra.s32 s10, $0x2  }
0x10: {  	[tilespmem:s10+$0x2710] =	vst v0;
	s9 =	simm.s32 $0x0  }
0x11: {  	[tilespmem:s9], [sflag:$0x1] =	stream.linear.gather [hbm4b:s3+s9], $0x2710, $0x38;
	[tilespmem:$0x4F10] =	vst v63  }
0x12: {  	_ =	swait.ge [sflag:s6], $0x2710  }
0x13: {  	[sflag:s6] =	ssyncset.done $0x0  }
0x14: {  	s10 =	simm.s32 $0x0;
	s9 =	simm.s32 $0x40;
	[sflag:s6] =	ssyncadd.s32 $0xFFFFD8F0  }
.LBB2_4:
0x15: {  	p0 =	sne.s32 s9, $0x9C00;
	v2 =	vld [tilespmem:s10+$0x0];
	_ =	sdelay $0x3  }
.Ltmp1:
0x16: {  	(pc) =	sbr.rel @p0 .LBB2_4-.Ltmp1, $2  }
0x17: {  	_ =	sdelay $0x2  }
0x18: {  	s10 =	sshra.s32 s9, $0x2;
	s9 =	sadd.s32 $0x40, s9;
	[tilespmem:v2+s7+$0x0] =	vst.idx.add.f32.msk $0xffff, v1  }
0x19: {  	v2 =	vld [tilespmem:s10+$0x0];
	_ =	sdelay $0x5  }
0x1a: {  	s8 =	sadd.s32 $0x1, s8  }
0x1b: {  	p0 =	sne.s32 s8, s5  }
.Ltmp2:
0x1c: {  	[tilespmem:v2+s7+$0x0] =	vst.idx.add.f32.msk $0xffff, v1;
	(pc) =	sbr.rel @p0 .LBB2_1-.Ltmp2, $4  }
0x1d: {  	[hbm4b:s4+s2] =	stream.linear.scatter [tilespmem:s7], [sflag:$0x1], $0x2800, $0x38;
	[tilespmem:$0x4F10] =	vst v63  }
0x1e: {  	_ =	swait.ge [sflag:s6], $0x2800  }
0x1f: {  	[sflag:s6] =	ssyncset.done $0x0  }
0x20: {  	[sflag:s6] =	ssyncadd.s32 $0xFFFFD800  }
0x21: {  	_ =	sfence.sel $0x180000  }
0x22: {  	[bflag:$0x0] =	sbarrier.arrive $0xFFFF  }
0x23: {  	p0 =	sne.s32 s0, $0x0;
	_ =	strace $0x90000047  }
0x24: {  	s0 =	sadd.s32 @!p0 $0x100000, s1;
	[bflag:$0x2] =	sbarrier.arrive $0xFFFF  }
0x25: {  	[sflag:s0] =	ssyncadd.tile.s32 @!p0 $0x1;
	_ =	shalt  }
.Lfunc_end2:
_tile_overlayer_lowered:
.L_overlay_start_2:
0x26: {  	(tag) =	ssettag $0x2  }
0x27: {  	s0 =	rddreg [dreg:$0x0];
	s2 =	stileid.u32  }
0x28: {  	s1 =	rddreg [dreg:$0x1];
	p0 =	sne.s32 s2, $0x0  }
0x29: {  	s3 =	rddreg [dreg:$0x2];
	[bflag:$0x3] =	sbarrier.arrive $0xFFFF;
	s2 =	simm.s32 @!p0 $0x1C01  }
0x2a: {  	[timem:s3], [sflag:s2] =	dma.local @!p0 [hbm:s0], s1  }
0x2b: {  	s0 =	simm.s32 @!p0 $0x1  }
0x2c: {  	_ =	swait.ge @!p0 [sflag:s0], s1  }
0x2d: {  	s1 =	ssub.s32 @!p0 $0x0, s1;
	[sflag:s0] =	ssyncset.done @!p0 $0x0  }
0x2e: {  	[sflag:s0] =	ssyncadd.s32 @!p0 s1  }
0x2f: {  	[bflag:$0x3] =	sbarrier.arrive $0xFFFF  }
0x30: {  	_ =	shalt  }

// kernel: kernel.9.cloned.1.call-start
scs
__scs_entry_jumppad:
0x0: {  	(pc) =	sbr.rel $0x88, $3  }
0x1: {  	(tag) =	ssettag $0x0;
	lr =	simm.s32 $0x1  }
0x2: {  	[smem:$0x3F9A] =	sst lr;
	_ =	strace $0xD0000000  }
0x3: {  	_ = 	snop  }
0x4: {  	_ = 	snop  }
0x5: {  	_ = 	snop  }
0x6: {  	_ = 	snop  }
0x7: {  	_ = 	snop  }
__scs_overlays_trampoline_lowered:
0x8: {  	[smem:$0x3FA9] =	sst s0  }
0x9: {  	[smem:$0x3FAA] =	sst s1  }
0xa: {  	[smem:$0x3FAB] =	sst s2  }
0xb: {  	[smem:$0x3FAC] =	sst s3  }
0xc: {  	[smem:$0x3FAD] =	sst s4  }
0xd: {  	[smem:$0x3FAE] =	sst s5  }
0xe: {  	[smem:$0x3FAF] =	sst s6  }
0xf: {  	[smem:$0x3FB0] =	sst s7  }
0x10: {  	[smem:$0x3FB1] =	sst s8  }
0x11: {  	[smem:$0x3FB2] =	sst s9;
	s0 =	simm.s32 @!p0 $0x0  }
0x12: {  	s1 =	sld [smem:$0x3F98];
	s0 =	simm.s32 @p0 $0x1  }
0x13: {  	[smem:$0x3FB3] =	sst s0;
	s0 =	simm.s32 @!p1 $0x0  }
0x14: {  	s2 =	sld [smem:$0x3F97];
	s0 =	simm.s32 @p1 $0x1  }
0x15: {  	[smem:$0x3FB4] =	sst s0;
	s0 =	simm.s32 @!p2 $0x0  }
0x16: {  	s3 =	sld [smem:$0x3FDB];
	s0 =	simm.s32 @p2 $0x1  }
0x17: {  	s4 =	simm.s32 $0x1BF5;
	[smem:$0x3FB6] =	sst s0  }
0x18: {  	s0 =	sld [smem:$0x3F99];
	_ =	swait.ge [sflag:s4], $0x0  }
0x19: {  	s7 =	sld [smem:$0x3F9A]  }
0x1a: {  	s8 =	sadd.s32 $0xFFFFE003, lr  }
0x1b: {  	s9 =	sadd.s32 $0xFFFFFEF7, lr;
	s5 =	simm.s32 $0xFFFFFFFF;
	p2 =	slt.u32 s8, $0xFFFFF086  }
0x1c: {  	p1 =	slt.u32 s9, $0xF7A;
	s5 =	simm.s32 @!p2 $0x0  }
0x1d: {  	s5 =	simm.s32 @p1 $0x1;
	p0 =	seq.s32 s7, s2  }
0x1e: {  	s7 =	smul.u32 @!p0 $0xF7A, s2;
	p2 =	seq.s32 @!p0 s5, $0x0  }
0x1f: {  	s9 =	smul.u32 $0xF7A, s1;
	s8 =	simm.s32 @!p0 $0x1BF5;
	p2 =	por !p2, p0  }
0x20: {  	[sflag:s8] =	ssyncset.s32 @!p0 $0xFFFFF086;
	s6 =	sadd.s32 @!p0 s3, s7;
	s7 =	simm.s32 @!p0 $0x108  }
0x21: {  	s3 =	sadd.s32 s3, s9;
	s6 =	sadd.s32 @!p0 $0x88, s6;
	s7 =	simm.s32 @p2 $0x1082  }
0x22: {  	[simem:s7], [sflag:s8] =	dma.local @!p0 [hbm:s6], $0xF7A  }
0x23: {  	s9 =	sor.u32 $0xD0000000, s2;
	s6 =	simm.s32 $0x108;
	_ =	swait.ge @!p0 [sflag:s8], $0x0  }
0x24: {  	s3 =	sadd.s32 $0x88, s3;
	s6 =	simm.s32 @!p1 $0x1082;
	[sflag:s4] =	ssyncset.s32 $0xFFFFF086  }
0x25: {  	[simem:s6], [sflag:s4] =	dma.local [hbm:s3], $0xF7A  }
0x26: {  	[smem:$0x3F9A] =	sst s1;
	(tag) =	ssettag s2;
	_ =	strace s9  }
0x27: {  	s1 =	sld [smem:$0x3FAA]  }
0x28: {  	s2 =	sld [smem:$0x3FAB]  }
0x29: {  	s4 =	sld [smem:$0x3FAD]  }
0x2a: {  	p0 =	seq.s32 s5, $0x0;
	s5 =	sld [smem:$0x3FAE]  }
0x2b: {  	s6 =	sld [smem:$0x3FAF]  }
0x2c: {  	s7 =	sld [smem:$0x3FB0]  }
0x2d: {  	s3 =	simm.s32 $0x108;
	s8 =	sld [smem:$0x3FB1]  }
0x2e: {  	s3 =	simm.s32 @!p0 $0x1082;
	s9 =	sld [smem:$0x3FB2]  }
0x2f: {  	lr =	sadd.s32 s0, s3;
	s0 =	sld [smem:$0x3FA9]  }
0x30: {  	s3 =	sld [smem:$0x3FAC]  }
0x31: {  	[smem:$0x3FB5] =	sst s10  }
0x32: {  	s10 =	sld [smem:$0x3FB3];
	_ =	sdelay $0x3  }
0x33: {  	p0 =	seq.s32 s10, $0x1;
	s10 =	sld [smem:$0x3FB5];
	_ =	sdelay $0x3  }
0x34: {  	[smem:$0x3FB5] =	sst s10  }
0x35: {  	s10 =	sld [smem:$0x3FB4];
	_ =	sdelay $0x3  }
0x36: {  	p1 =	seq.s32 s10, $0x1;
	s10 =	sld [smem:$0x3FB5];
	_ =	sdelay $0x3  }
0x37: {  	[smem:$0x3FB5] =	sst s10  }
0x38: {  	s10 =	sld [smem:$0x3FB6]  }
0x39: {  	_ = 	snop;
	(pc) =	sbr.ind lr, $3  }
0x3a: {  	_ = 	snop  }
0x3b: {  	_ = 	snop  }
0x3c: {  	p2 =	seq.s32 s10, $0x1;
	s10 =	sld [smem:$0x3FB5]  }
0x3d: {  	_ =	shalt  }
0x3e: {  	_ =	shalt  }
0x3f: {  	_ =	shalt  }
0x40: {  	_ =	shalt  }
0x41: {  	_ =	shalt  }
0x42: {  	_ =	shalt  }
0x43: {  	_ =	shalt  }
0x44: {  	_ =	shalt  }
0x45: {  	_ =	shalt  }
0x46: {  	_ =	shalt  }
0x47: {  	_ =	shalt  }
0x48: {  	_ =	shalt  }
0x49: {  	_ =	shalt  }
0x4a: {  	_ =	shalt  }
0x4b: {  	_ =	shalt  }
0x4c: {  	_ =	shalt  }
0x4d: {  	_ =	shalt  }
0x4e: {  	_ =	shalt  }
0x4f: {  	_ =	shalt  }
0x50: {  	_ =	shalt  }
0x51: {  	_ =	shalt  }
0x52: {  	_ =	shalt  }
0x53: {  	_ =	shalt  }
0x54: {  	_ =	shalt  }
0x55: {  	_ =	shalt  }
0x56: {  	_ =	shalt  }
0x57: {  	_ =	shalt  }
0x58: {  	_ =	shalt  }
0x59: {  	_ =	shalt  }
0x5a: {  	_ =	shalt  }
0x5b: {  	_ =	shalt  }
0x5c: {  	_ =	shalt  }
0x5d: {  	_ =	shalt  }
0x5e: {  	_ =	shalt  }
0x5f: {  	_ =	shalt  }
0x60: {  	_ =	shalt  }
0x61: {  	_ =	shalt  }
0x62: {  	_ =	shalt  }
0x63: {  	_ =	shalt  }
0x64: {  	_ =	shalt  }
0x65: {  	_ =	shalt  }
0x66: {  	_ =	shalt  }
0x67: {  	_ =	shalt  }
0x68: {  	_ =	shalt  }
0x69: {  	_ =	shalt  }
0x6a: {  	_ =	shalt  }
0x6b: {  	_ =	shalt  }
0x6c: {  	_ =	shalt  }
0x6d: {  	_ =	shalt  }
0x6e: {  	_ =	shalt  }
0x6f: {  	_ =	shalt  }
0x70: {  	_ =	shalt  }
0x71: {  	_ =	shalt  }
0x72: {  	_ =	shalt  }
0x73: {  	_ =	shalt  }
0x74: {  	_ =	shalt  }
0x75: {  	_ =	shalt  }
0x76: {  	_ =	shalt  }
0x77: {  	_ =	shalt  }
0x78: {  	_ =	shalt  }
0x79: {  	_ =	shalt  }
0x7a: {  	_ =	shalt  }
0x7b: {  	_ =	shalt  }
0x7c: {  	_ =	shalt  }
0x7d: {  	_ =	shalt  }
0x7e: {  	_ =	shalt  }
0x7f: {  	_ =	shalt  }
0x80: {  	_ =	shalt  }
0x81: {  	_ =	shalt  }
0x82: {  	_ =	shalt  }
0x83: {  	_ =	shalt  }
0x84: {  	_ =	shalt  }
0x85: {  	_ =	shalt  }
0x86: {  	_ =	shalt  }
0x87: {  	_ =	shalt  }
.Lfunc_end0:
.L_simem_size_0:
called_computation.1_lowered:
.L_overlay_start_0:
0x88: {  	s2 =	sld [smem:$0x3FD9]  }
0x89: {  	s3 =	sld [smem:$0x3FFE];
	_ =	sdelay $0x1  }
0x8a: {  	s1 =	srdreg.scid  }
0x8b: {  	s0 =	sand.u32 $0x1, s1  }
0x8c: {  	s17 =	sshll.u32 s0, $0xA;
	s2 =	sadd.s32 s3, s2  }
0x8d: {  	s2 =	sadd.s32 s2, s17  }
0x8e: {  	[smem:$0x3FC1] =	sst s2  }
0x8f: {  	_ = 	snop  }
0x90: {  	s2 =	sld [smem:$0x3FD0];
	(tm) =	ssettm $0x1  }
0x91: {  	s18 =	sld [smem:$0x3FFB];
	_ =	sdelay $0x3  }
0x92: {  	_ =	strace s18  }
0x93: {  	s3 =	sld [smem:$0x3FFC];
	_ =	sdelay $0x3  }
0x94: {  	_ =	strace s3  }
0x95: {  	s3 =	sld [smem:$0x3FFD];
	_ =	sdelay $0x3  }
0x96: {  	_ =	strace s3  }
0x97: {  	_ =	strace $0x8FFFFFFF  }
0x98: {  	s19 =	sld [smem:$0x3FDB];
	_ =	sdelay $0x1  }
0x99: {  	s4 =	simm.s32 $_scs_section_size  }
0x9a: {  	s5 =	simm.s32 $_size__tile_overlayer_lowered;
	s6 =	simm.s32 $_tile_overlayer_lowered  }
0x9b: {  	s22 =	simm.s32 $0x1BFF;
	s21 =	sshll.u32 s6, $0x1;
	s3 =	sadd.s32 s4, s19  }
0x9c: {  	s7 =	simm.s32 $0x0;
	s20 =	sshll.u32 s5, $0x1;
	s5 =	sadd.s32 s21, s3  }
0x9d: {  	[timem:s7], [sflag:s22] =	dma.local [hbm:s5], s20  }
0x9e: {  	_ =	swait.ge [sflag:s22], s20  }
0x9f: {  	s4 =	ssub.s32 $0x0, s20;
	[sflag:s22] =	ssyncset.done $0x0  }
0xa0: {  	[sflag:s22] =	ssyncadd.s32 s4;
	_ =	sdelay $0x1  }
0xa1: {  	s23 =	simm.s32 $0x1B8B  }
0xa2: {  	_ =	swait.ge [sflag:s23], $0x1  }
0xa3: {  	[sflag:s23] =	ssyncset.done $0x0  }
0xa4: {  	s25 =	simm.s32 $0x1B8E;
	s24 =	sld [smem:$0x3FFE];
	[sflag:s23] =	ssyncadd.s32 $0xFFFFFFFF  }
0xa5: {  	s26 =	simm.s32 $execute0_lowered;
	[smem:$0x3FD2] =	sst s25  }
0xa6: {  	s5 =	sshll.u32 s26, $0x1;
	_ =	strace $0x80000049;
	[dreg:$0x1] =	wrdreg $0xFFFFFFFF  }
0xa7: {  	s28 =	simm.s32 $_size_execute0_lowered;
	s3 =	sadd.s32 s3, s5;
	[dreg:$0x0] =	wrdreg $0x0  }
0xa8: {  	s5 =	sshll.u32 s28, $0x1;
	[dreg:$0x2] =	wrdreg s3  }
0xa9: {  	[dreg:$0x3] =	wrdreg s5  }
0xaa: {  	[dreg:$0x4] =	wrdreg $0xC0  }
0xab: {  	_ =	task [dreg:s7], $0x5FFFF  }
0xac: {  	[dreg:$0x1] =	wrdreg $0xFFFFFFFF  }
0xad: {  	[dreg:$0x0] =	wrdreg $0x60  }
0xae: {  	[dreg:$0x2] =	wrdreg s2  }
0xaf: {  	[dreg:$0x3] =	wrdreg s24  }
0xb0: {  	[dreg:$0x4] =	wrdreg $0x83400  }
0xb1: {  	[dreg:$0x5] =	wrdreg $0x9  }
0xb2: {  	_ =	task.clear_ibuf [dreg:s7], $0x6FFFF;
	_ =	strace $0x90000049  }
0xb3: {  	s29 =	simm.s32 $0x9;
	_ =	strace $0x8000004B  }
0xb4: {  	_ =	swait.ge [sflag:s29], $0x1  }
0xb5: {  	[sflag:s29] =	ssyncadd.s32 $0xFFFFFFFF  }
0xb6: {  	_ =	strace $0x9000004B  }
0xb7: {  	_ =	sfence  }
0xb8: {  	s30 =	sld [smem:$0x0];
	_ =	sdelay $0x2  }
0xb9: {  	s31 =	sshll.u32 s1, $0xD;
	s1 =	sshrl.u32 s1, $0x2  }
0xba: {  	s3 =	sand.u32 $0x4000, s31;
	s1 =	sadd.s32 s1, s30  }
0xbb: {  	s0 =	sor.u32 s3, s0;
	s1 =	sshll.u32 s1, $0x11  }
0xbc: {  	s0 =	sor.u32 s1, s0  }
0xbd: {  	s0 =	sadd.s32 $0x8F2B, s0  }
0xbe: {  	[sflag:s0] =	ssyncadd.remote.s32 $0x1  }
0xbf: {  	_ =	sfence.sel $0xFFFF  }
0xc0: {  	[dreg:$0x0] =	wrdreg $0xFFFFFFFF;
	(pc) =	sbr.abs _section_cstart, $3  }
0xc1: {  	[dreg:$0x1] =	wrdreg $0xFFFFFFFF  }
0xc2: {  	_ =	task.clear_ibuf [dreg:s7], $0x2FFFF;
	_ =	strace $0x9FFFFFFF  }
0xc3: {  	(tm) =	ssettm $0x7FFFFFFF  }
tec
execute0_lowered:
.L_overlay_start_1:
0x0: {  	(tag) =	ssettag $0x1  }
0x1: {  	s1 =	rddreg [dreg:$0x0]  }
0x2: {  	s5 =	rddreg [dreg:$0x1];
	s3 =	srdreg.scid  }
0x3: {  	s0 =	stileid.u32;
	s2 =	rddreg [dreg:$0x2]  }
0x4: {  	s17 =	simm.s32 $0x5140;
	s18 =	simm.s32 $0x5;
	s20 =	simm.s32 $0x64  }
0x5: {  	s21 =	simm.s32 $0x68;
	s22 =	simm.s32 $0x6A40;
	s23 =	simm.s32 $0x1  }
0x6: {  	s24 =	simm.s32 $0x2;
	s28 =	simm.s32 $0x5070;
	s7 =	smul.u32 $0x13C00, s0  }
0x7: {  	s29 =	simm.s32 $0x50D8;
	s6 =	sand.u32 $0x1, s3;
	s9 =	smul.u32 $0x27800, s0  }
0x8: {  	s30 =	simm.s32 $0x0;
	s3 =	simm.s32 $0x0;
	s4 =	smul.u32 $0x13C000, s6  }
0x9: {  	[smem:$0x7FF] =	sst s3;
	s25 =	ssub.s32 $0x2, s6;
	s6 =	sshll.u32 s6, $0x4  }
0xa: {  	_ =	strace $0x8000004A;
	s26 =	sshrl.u32 s25, $0x1;
	s6 =	sor.u32 s0, s6  }
0xb: {  	s9 =	sshrl.u32 s9, $0x2;
	s8 =	sadd.s32 s7, s4;
	s4 =	sadd.s32 $0x1C00, s5  }
0xc: {  	s7 =	sshrl.u32 s7, $0x1;
	s13 =	sadd.s32 s9, s2;
	s31 =	smul.u32 $0x28A0, s6  }
0xd: {  	s16 =	ssub.s32 s25, s26;
	s25 =	simm.s32 $0x3;
	s26 =	simm.s32 $0x4  }
0xe: {  	s8 =	sshrl.u32 s8, $0x4;
	s6 =	sadd.s32 $0x13C0, s13;
	s9 =	sadd.s32 $0x4F00, s13  }
0xf: {  	s10 =	sadd.s32 $0x62C0, s13;
	s12 =	sadd.s32 $0x7680, s13;
	s16 =	smax.u32 s16, $0x1  }
0x10: {  	s15 =	sadd.s32 s8, s5;
	s5 =	sadd.s32 s7, s2;
	s11 =	sshrl.u32 s31, $0x3  }
0x11: {  	s7 =	sadd.s32 $0x2780, s13;
	s8 =	sadd.s32 $0x3B40, s13;
	s11 =	sadd.s32 s1, s11  }
0x12: {  	v0 =	vimm.bf16 $0.0e+00;
	s13 =	sadd.s32 $0x8A40, s13;
	s15 =	sadd.s32 $0x15600, s15;
	s14 =	sadd.s32 $0xA280, s11  }
.LBB2_1:
0x13: {  	s1 =	sand.u32 $0x7F00, s3;
	s31 =	sand.u32 $0x60, s3  }
0x14: {  	s1 =	sshrl.u32 s1, $0x2;
	s31 =	sshrl.u32 s31, $0x1  }
0x15: {  	s1 =	sor.u32 s31, s1  }
0x16: {  	s31 =	simm.s32 $0x40;
	[tilespmem:s1+$0x5140] =	vst v0;
	s1 =	simm.s32 $0x0  }
.LBB2_2:
0x17: {  	p0 =	sne.s32 s31, $0x63C0  }
.Ltmp0:
0x18: {  	s0 =	sand.u32 $0x7F00, s31;
	s1 =	sadd.s32 $0x20, s1;
	(pc) =	sbr.rel @p0 .LBB2_2-.Ltmp0, $4  }
0x19: {  	s31 =	sadd.s32 $0x40, s31;
	s19 =	sand.u32 $0x60, s1  }
0x1a: {  	s0 =	sshrl.u32 s0, $0x2;
	s19 =	sshrl.u32 s19, $0x1  }
0x1b: {  	s0 =	sor.u32 s19, s0  }
0x1c: {  	[tilespmem:s0+$0x5140] =	vst v0  }
0x1d: {  	[spmem:s5] =	stream.linear.scatter [tilespmem:s17], [sflag:$0x5], $0x13C0, $0x38;
	[tilespmem:$0x12140] =	vst v63  }
0x1e: {  	_ =	swait.ge [sflag:s18], $0x13C0  }
0x1f: {  	[sflag:s18] =	ssyncset.done $0x0  }
0x20: {  	[sflag:s18] =	ssyncadd.s32 $0xFFFFEC40  }
0x21: {  	[spmem:s6] =	stream.linear.scatter [tilespmem:s17], [sflag:$0x5], $0x13C0, $0x38;
	[tilespmem:$0x12140] =	vst v63  }
0x22: {  	_ =	swait.ge [sflag:s18], $0x13C0  }
0x23: {  	[sflag:s18] =	ssyncset.done $0x0  }
0x24: {  	[sflag:s18] =	ssyncadd.s32 $0xFFFFEC40  }
0x25: {  	[spmem:s7] =	stream.linear.scatter [tilespmem:s17], [sflag:$0x5], $0x13C0, $0x38;
	[tilespmem:$0x12140] =	vst v63  }
0x26: {  	_ =	swait.ge [sflag:s18], $0x13C0  }
0x27: {  	[sflag:s18] =	ssyncset.done $0x0  }
0x28: {  	[sflag:s18] =	ssyncadd.s32 $0xFFFFEC40  }
0x29: {  	[spmem:s8] =	stream.linear.scatter [tilespmem:s17], [sflag:$0x5], $0x13C0, $0x38;
	[tilespmem:$0x12140] =	vst v63  }
0x2a: {  	_ =	swait.ge [sflag:s18], $0x13C0  }
0x2b: {  	[sflag:s18] =	ssyncset.done $0x0  }
0x2c: {  	[sflag:s18] =	ssyncadd.s32 $0xFFFFEC40  }
0x2d: {  	[spmem:s9] =	stream.linear.scatter [tilespmem:s17], [sflag:$0x5], $0x13C0, $0x38;
	[tilespmem:$0x12140] =	vst v63  }
0x2e: {  	_ =	swait.ge [sflag:s18], $0x13C0  }
0x2f: {  	[sflag:s18] =	ssyncset.done $0x0  }
0x30: {  	[sflag:s18] =	ssyncadd.s32 $0xFFFFEC40  }
0x31: {  	[spmem:s10] =	stream.linear.scatter [tilespmem:s17], [sflag:$0x5], $0x13C0, $0x38;
	[tilespmem:$0x12140] =	vst v63  }
0x32: {  	_ =	swait.ge [sflag:s18], $0x13C0  }
0x33: {  	[sflag:s18] =	ssyncset.done $0x0  }
0x34: {  	[sflag:s18] =	ssyncadd.s32 $0xFFFFEC40  }
0x35: {  	[spmem:s12] =	stream.linear.scatter [tilespmem:s17], [sflag:$0x5], $0x13C0, $0x38;
	[tilespmem:$0x12140] =	vst v63  }
0x36: {  	_ =	swait.ge [sflag:s18], $0x13C0  }
0x37: {  	[sflag:s18] =	ssyncset.done $0x0  }
0x38: {  	[sflag:s18] =	ssyncadd.s32 $0xFFFFEC40  }
0x39: {  	[spmem:s13] =	stream.linear.scatter [tilespmem:s17], [sflag:$0x5], $0x13C0, $0x38;
	[tilespmem:$0x12140] =	vst v63  }
0x3a: {  	_ =	swait.ge [sflag:s18], $0x13C0  }
0x3b: {  	[sflag:s18] =	ssyncset.done $0x0  }
0x3c: {  	s0 =	simm.s32 $0x0;
	[sflag:s18] =	ssyncadd.s32 $0xFFFFEC40  }
0x3d: {  	[tilespmem:s0], [sflag:$0x5] =	stream.linear.gather [hbm4b:s11+s0], $0x28A0, $0x38;
	[tilespmem:$0x12140] =	vst v63  }
0x3e: {  	_ =	swait.ge [sflag:s18], $0x28A0  }
0x3f: {  	[sflag:s18] =	ssyncset.done $0x0  }
0x40: {  	s1 =	simm.s32 $0x28A0;
	[sflag:s18] =	ssyncadd.s32 $0xFFFFD760  }
0x41: {  	[tilespmem:s1], [sflag:$0x5] =	stream.linear.gather [hbm4b:s14+s0], $0x28A0, $0x38;
	[tilespmem:$0x12140] =	vst v63  }
0x42: {  	_ =	swait.ge [sflag:s18], $0x28A0  }
0x43: {  	[sflag:s18] =	ssyncset.done $0x0  }
0x44: {  	[sflag:s18] =	ssyncadd.s32 $0xFFFFD760  }
0x45: {  	[bflag:$0x0] =	sbarrier.arrive $0xFFFF  }
0x46: {  	[tilespmem:s17], [sflag:$0x1] =	stream.indirect.gather [hbm4b:s4+s20], $0x40, s0, s20, $0xb8;
	[tilespmem:$0x12140] =	vst v63  }
0x47: {  	_ = 	snop  }
0x48: {  	[tilespmem:s22], [sflag:$0x2] =	stream.indirect.gather [hbm4b:s4+s20], $0x40, s21, s20, $0xb8;
	[tilespmem:$0x12140] =	vst v63  }
0x49: {  	_ =	swait.ge [sflag:s23], $0x1900  }
0x4a: {  	[sflag:s23] =	ssyncset.done $0x0  }
0x4b: {  	s19 =	simm.s32 $0x28A0;
	[sflag:s23] =	ssyncadd.s32 $0xFFFFE700  }
0x4c: {  	[spmem:s2] =	stream.indirect.scatter.add.bf16 [tilespmem:s17], [sflag:$0x3], $0x40, s19, s20, $0xb8;
	[tilespmem:$0x12140] =	vst v63  }
0x4d: {  	_ =	swait.ge [sflag:s24], $0x1900  }
0x4e: {  	[sflag:s24] =	ssyncset.done $0x0  }
0x4f: {  	s1 =	simm.s32 $0x2908;
	[sflag:s24] =	ssyncadd.s32 $0xFFFFE700  }
0x50: {  	[spmem:s2] =	stream.indirect.scatter.add.bf16 [tilespmem:s22], [sflag:$0x4], $0x40, s1, s20, $0xb8;
	[tilespmem:$0x12140] =	vst v63  }
0x51: {  	_ =	swait.ge [sflag:s25], $0x1900  }
0x52: {  	[sflag:s25] =	ssyncset.done $0x0  }
0x53: {  	s19 =	simm.s32 $0xD0;
	[sflag:s25] =	ssyncadd.s32 $0xFFFFE700  }
0x54: {  	[tilespmem:s17], [sflag:$0x1] =	stream.indirect.gather [hbm4b:s4+s20], $0x40, s19, s20, $0xb8;
	[tilespmem:$0x12140] =	vst v63  }
0x55: {  	_ =	swait.ge [sflag:s26], $0x1900  }
0x56: {  	[sflag:s26] =	ssyncset.done $0x0  }
0x57: {  	s31 =	simm.s32 $0x340;
	s1 =	simm.s32 $0x138;
	[sflag:s26] =	ssyncadd.s32 $0xFFFFE700  }
.LBB2_4:
0x58: {  	[tilespmem:s22], [sflag:$0x2] =	stream.indirect.gather [hbm4b:s4+s20], $0x40, s1, s20, $0xb8;
	[tilespmem:$0x12140] =	vst v63  }
0x59: {  	s0 =	smov.u32 s31  }
0x5a: {  	p0 =	sne.s32 s31, $0x9C00;
	s31 =	sadd.s32 $0x340, s31;
	_ =	swait.ge [sflag:s23], $0x1900  }
0x5b: {  	s0 =	sshra.s32 s0, $0x2;
	[sflag:s23] =	ssyncset.done $0x0  }
0x5c: {  	s1 =	sadd.s32 $0x28A0, s0;
	[sflag:s23] =	ssyncadd.s32 $0xFFFFE700  }
0x5d: {  	[spmem:s2] =	stream.indirect.scatter.add.bf16 [tilespmem:s17], [sflag:$0x3], $0x40, s1, s20, $0xb8;
	[tilespmem:$0x12140] =	vst v63  }
0x5e: {  	_ =	swait.ge [sflag:s24], $0x1900  }
0x5f: {  	[sflag:s24] =	ssyncset.done $0x0  }
0x60: {  	s1 =	sadd.s32 $0x2908, s0;
	[sflag:s24] =	ssyncadd.s32 $0xFFFFE700  }
0x61: {  	[spmem:s2] =	stream.indirect.scatter.add.bf16 [tilespmem:s22], [sflag:$0x4], $0x40, s1, s20, $0xb8;
	[tilespmem:$0x12140] =	vst v63  }
0x62: {  	_ =	swait.ge [sflag:s25], $0x1900  }
0x63: {  	[sflag:s25] =	ssyncset.done $0x0  }
.Ltmp1:
0x64: {  	s1 =	sadd.s32 $0xD0, s0;
	[sflag:s25] =	ssyncadd.s32 $0xFFFFE700;
	(pc) =	sbr.rel @p0 .LBB2_4-.Ltmp1, $4  }
0x65: {  	[tilespmem:s17], [sflag:$0x1] =	stream.indirect.gather [hbm4b:s4+s20], $0x40, s1, s20, $0xb8;
	[tilespmem:$0x12140] =	vst v63  }
0x66: {  	_ =	swait.ge [sflag:s26], $0x1900  }
0x67: {  	[sflag:s26] =	ssyncset.done $0x0  }
0x68: {  	s1 =	sadd.s32 $0x138, s0;
	[sflag:s26] =	ssyncadd.s32 $0xFFFFE700  }
0x69: {  	[tilespmem:s22], [sflag:$0x2] =	stream.indirect.gather [hbm4b:s4+s20], $0x40, s1, s20, $0xb8;
	[tilespmem:$0x12140] =	vst v63  }
0x6a: {  	_ =	swait.ge [sflag:s23], $0x1900  }
0x6b: {  	[sflag:s23] =	ssyncset.done $0x0  }
0x6c: {  	[sflag:s23] =	ssyncadd.s32 $0xFFFFE700  }
0x6d: {  	[spmem:s2] =	stream.indirect.scatter.add.bf16 [tilespmem:s17], [sflag:$0x3], $0x40, s28, s20, $0xb8;
	[tilespmem:$0x12140] =	vst v63  }
0x6e: {  	_ =	swait.ge [sflag:s24], $0x1900  }
0x6f: {  	[sflag:s24] =	ssyncset.done $0x0  }
0x70: {  	[sflag:s24] =	ssyncadd.s32 $0xFFFFE700  }
0x71: {  	[spmem:s2] =	stream.indirect.scatter.add.bf16 [tilespmem:s22], [sflag:$0x4], $0x40, s29, s20, $0xb8;
	[tilespmem:$0x12140] =	vst v63  }
0x72: {  	_ =	swait.ge [sflag:s25], $0x1900  }
0x73: {  	[sflag:s25] =	ssyncset.done $0x0  }
0x74: {  	[sflag:s25] =	ssyncadd.s32 $0xFFFFE700  }
0x75: {  	s0 =	stileid.u32;
	_ =	swait.ge [sflag:s26], $0x1900  }
0x76: {  	s31 =	sshrl.u32 s5, $0x3;
	s30 =	sadd.s32 $0x1, s30;
	[sflag:s26] =	ssyncset.done $0x0  }
0x77: {  	s0 =	sshll.u32 s0, $0x6;
	p0 =	sne.s32 s30, s16;
	[sflag:s26] =	ssyncadd.s32 $0xFFFFE700  }
.Ltmp2:
0x78: {  	s0 =	sor.u32 $0x1C05, s0;
	[bflag:$0x0] =	sbarrier.arrive $0xFFFF;
	(pc) =	sbr.rel @p0 .LBB2_1-.Ltmp2, $4  }
0x79: {  	[hbm:s15], [sflag:s0] =	dma.local [spmem:s31], $0x13C0  }
0x7a: {  	_ =	swait.ge [sflag:s18], $0x13C0  }
0x7b: {  	[sflag:s18] =	ssyncset.done $0x0  }
0x7c: {  	[sflag:s18] =	ssyncadd.s32 $0xFFFFEC40  }
0x7d: {  	_ =	sfence.sel $0x180000  }
0x7e: {  	[bflag:$0x0] =	sbarrier.arrive $0xFFFF  }
0x7f: {  	_ =	strace $0x9000004A  }
0x80: {  	s0 =	stileid.u32;
	[bflag:$0x2] =	sbarrier.arrive $0xFFFF  }
0x81: {  	p0 =	sne.s32 s0, $0x0;
	s0 =	rddreg [dreg:$0x3]  }
0x82: {  	s0 =	sadd.s32 @!p0 $0x100000, s0  }
0x83: {  	[sflag:s0] =	ssyncadd.tile.s32 @!p0 $0x1;
	_ =	shalt  }
.Lfunc_end2:
_tile_overlayer_lowered:
.L_overlay_start_2:
0x84: {  	(tag) =	ssettag $0x2  }
0x85: {  	s0 =	rddreg [dreg:$0x0];
	s2 =	stileid.u32  }
0x86: {  	s1 =	rddreg [dreg:$0x1];
	p0 =	sne.s32 s2, $0x0  }
0x87: {  	s3 =	rddreg [dreg:$0x2];
	[bflag:$0x3] =	sbarrier.arrive $0xFFFF;
	s2 =	simm.s32 @!p0 $0x1C05  }
0x88: {  	[timem:s3], [sflag:s2] =	dma.local @!p0 [hbm:s0], s1  }
0x89: {  	s0 =	simm.s32 @!p0 $0x5  }
0x8a: {  	_ =	swait.ge @!p0 [sflag:s0], s1  }
0x8b: {  	s1 =	ssub.s32 @!p0 $0x0, s1;
	[sflag:s0] =	ssyncset.done @!p0 $0x0  }
0x8c: {  	[sflag:s0] =	ssyncadd.s32 @!p0 s1  }
0x8d: {  	[bflag:$0x3] =	sbarrier.arrive $0xFFFF  }
0x8e: {  	_ =	shalt  }

</sc_bundles>
